<compile_context>
chip_gen: v7x
topology: tpu7x:2x2x1
jax: 0.10.2.dev20260603
libtpu: 0.0.44.dev20260713+nightly
codegen_flags: <defaults>
</compile_context>

<pallas_src>
import functools

import jax
import jax.numpy as jnp
from jax import lax
from jax.experimental import pallas as pl
from jax.experimental.pallas import tpu as pltpu
from jax.experimental.pallas import tpu_sc as plsc

_B, _N, _D = 128, 2048, 64

_NC, _NS = 2, 16
_NW = _NC * _NS
_ROWS = 2 * _B
_R_PER_W = _ROWS // _NW


def _dense_body(qm_ref, qs_ref, g_ref, lp_ref, bu_ref, idx_ref):
    u = 0.5 * qm_ref[...] + 0.5 * qs_ref[...]
    m = jnp.max(u, axis=1, keepdims=True)
    logits = u - m
    lp_ref[...] = logits - jnp.log(jnp.sum(jnp.exp(logits), axis=1, keepdims=True))
    bu_ref[...] = m
    iota = lax.broadcasted_iota(jnp.int32, (_B, _N), 1)
    row_base = lax.broadcasted_iota(jnp.int32, (_B, 1), 0) * _N
    idx_ref[0:_B, :] = row_base + jnp.min(
        jnp.where(u == m, iota, _N), axis=1, keepdims=True)
    t = logits + g_ref[...]
    tm = jnp.max(t, axis=1, keepdims=True)
    idx_ref[_B:2 * _B, :] = row_base + jnp.min(
        jnp.where(t == tm, iota, _N), axis=1, keepdims=True)
    idx_ref[2 * _B:, :] = jnp.zeros((16, 1), jnp.int32)


def _dense_stage(q_mean, q_stddev, gumbel):
    return pl.pallas_call(
        _dense_body,
        out_shape=[
            jax.ShapeDtypeStruct((_B, _N), jnp.float32),
            jax.ShapeDtypeStruct((_B, 1), jnp.float32),
            jax.ShapeDtypeStruct((_ROWS + 16, 1), jnp.int32),
        ],
    )(q_mean, q_stddev, gumbel)


def _sc_gather(table, idx):
    mesh = plsc.VectorSubcoreMesh(core_axis_name="c", subcore_axis_name="s")

    @functools.partial(
        pl.kernel,
        mesh=mesh,
        out_type=jax.ShapeDtypeStruct((_ROWS, _D), jnp.float32),
        scratch_types=[
            pltpu.VMEM((16,), jnp.int32),
            pltpu.VMEM((64,), jnp.int32),
            pltpu.VMEM((64, 8, 128), jnp.float32),
            pltpu.VMEM((_R_PER_W, _D), jnp.float32),
            pltpu.SemaphoreType.DMA,
        ],
        compiler_params=pltpu.CompilerParams(needs_layout_passes=False),
    )
    def k(table_hbm, idx_hbm, out_hbm, idx_v, bidx_v, blocks_v, out_v, sem):
        wid = lax.axis_index("s") * _NC + lax.axis_index("c")
        base = wid * _R_PER_W
        pltpu.sync_copy(idx_hbm.at[pl.ds(base, 16)], idx_v)
        v = idx_v[...]
        b = v >> 11
        n = v & (_N - 1)
        blk_base = b * 128 + (n >> 7)
        col = n & 127
        lanes = lax.iota(jnp.int32, 16)
        for t in range(4):
            jj = t * 2 + (lanes >> 3)
            bb = blk_base.at[jj].get(mode="promise_in_bounds")
            bidx_v[pl.ds(t * 16, 16)] = bb + (lanes & 7) * 16
        pltpu.async_copy(table_hbm.at[bidx_v], blocks_v, sem).wait()
        for j in range(_R_PER_W):
            cc = col.at[jnp.full((16,), j, jnp.int32)].get(mode="promise_in_bounds")
            for c16 in range(4):
                d_vec = c16 * 16 + lanes
                out_v[j, pl.ds(c16 * 16, 16)] = plsc.load_gather(
                    blocks_v, [j * 8 + (d_vec >> 3), d_vec & 7, cc])
        pltpu.sync_copy(out_v, out_hbm.at[pl.ds(base, _R_PER_W)])

    return k(table, idx)


def _gumbel_const():
    if not _GUMBEL:
        _GUMBEL.append(jax.random.gumbel(jax.random.key(1), (_B, _N), jnp.float32))
    return _GUMBEL[0]


_GUMBEL = []


def kernel(q_mean, q_stddev, action):
    log_probs, best_u, idx = _dense_stage(q_mean, q_stddev, _gumbel_const())
    table = (
        action.transpose(0, 2, 1)
        .reshape(_B, 8, 8, 16, 128)
        .transpose(0, 1, 3, 2, 4)
        .reshape(16384, 8, 128)
    )
    rows = _sc_gather(table, idx.reshape(_ROWS + 16))
    return (log_probs, best_u.reshape(_B), rows[:_B], rows[_B:])

# --- scband reference (transcript-rebuilt; emitter-appended) ---
"""Pipeline reference for scband-categorical-critic-actor-1554778161321 (READ-ONLY COPY).

The authoritative reference and input builder live on the scoring server;
editing this copy changes nothing except your own understanding.
"""

import jax, jax.numpy as jnp
import numpy as np

# CategoricalCriticActor constants
EXPLOIT_TEMP = 0.5   # exploit_temp forward arg (blends Q mean and stddev)
ENTROPY_TEMP = 1.0   # Utils.schedule(entropy_schedule=1, step) == 1
ACTION_LOG_PROB = 0.0


def setup_inputs(seed: int = 0) -> dict:
    key = jax.random.key(seed)
    k1, k2, k3 = jax.random.split(key, 3)
    B, N, D = 128, 2048, 64
    q_mean = jax.random.normal(k1, (B, N), dtype=jnp.float32)
    q_stddev = jax.random.uniform(k2, (B, N), dtype=jnp.float32)
    action = jax.random.normal(k3, (B, N, D), dtype=jnp.float32)
    return {"q_mean": q_mean, "q_stddev": q_stddev, "action": action}


def reference(q_mean, q_stddev, action):
    # q = Q.mean (sample_q=False path)
    q = q_mean
    # u = exploit_temp * q + (1 - exploit_temp) * Q.stddev
    u = EXPLOIT_TEMP * q + (1.0 - EXPLOIT_TEMP) * q_stddev
    # u_logits = u - u.max(dim=-1, keepdim=True)
    u_logits = u - jnp.max(u, axis=-1, keepdims=True)
    # Categorical(logits=u_logits / entropy_temp + action_log_prob)
    logits = u_logits / ENTROPY_TEMP + ACTION_LOG_PROB
    log_probs = jax.nn.log_softmax(logits, axis=-1)
    # best_u, best_ind = torch.max(u, -1)
    best_u = jnp.max(u, axis=-1)
    best_ind = jnp.argmax(u, axis=-1)
    # best_action = gather_indices(action, best_ind.unsqueeze(-1), dim=1).squeeze(1)
    best_action = jnp.take_along_axis(action, best_ind[:, None, None], axis=1).squeeze(1)
    # Psi.sample() followed by action gather (fixed key for determinism)
    samp_ind = jax.random.categorical(jax.random.key(1), logits, axis=-1)
    sampled_action = jnp.take_along_axis(action, samp_ind[:, None, None], axis=1).squeeze(1)
    return (log_probs, best_u, best_action, sampled_action)

if __name__ == "__main__":
    import jax
    _d = setup_inputs()
    print(jax.jit(kernel)(*tuple(_d.values())))

</pallas_src>

<mosaic_0001>
#map = affine_map<(d0, d1) -> (0, 0, 0)>
#map1 = affine_map<(d0, d1) -> (0)>
#map2 = affine_map<(d0, d1) -> (0, 0)>
module attributes {stable_mosaic.version = 14 : i64} {
  func.func @k(%arg0: i32, %arg1: i32, %arg2: memref<16384x8x128xf32, #tpu.memory_space<hbm>>, %arg3: memref<272xi32, #tpu.memory_space<hbm>>, %arg4: memref<256x64xf32, #tpu.memory_space<hbm>>, %arg5: memref<16xi32, #tpu.memory_space<vmem>>, %arg6: memref<64xi32, #tpu.memory_space<vmem>>, %arg7: memref<64x8x128xf32, #tpu.memory_space<vmem>>, %arg8: memref<8x64xf32, #tpu.memory_space<vmem>>, %arg9: memref<!tpu.dma_semaphore, #tpu.memory_space<semaphore_mem>>) attributes {dimension_semantics = [#tpu.dimension_semantics<core_parallel>, #tpu.dimension_semantics<subcore_parallel>], iteration_bounds = array<i64: 2, 16>, scalar_prefetch = 0 : i64, scratch_operands = 5 : i64, tpu.core_type = #tpu.core_type<sc_vector_subcore>, window_params = [{transform_indices = #map}, {transform_indices = #map1}, {transform_indices = #map2}]} {
    %mul3A = arith.constant 2 : i32
    %mul3A_0 = arith.muli %arg1, %mul3A : i32
    %add3A = arith.addi %mul3A_0, %arg0 : i32
    %mul3A_1 = arith.constant 8 : i32
    %mul3A_2 = arith.muli %add3A, %mul3A_1 : i32
    "tpu.region"() ({
      %run_scoped3A = tpu.sem_alloc : memref<!tpu.dma_semaphore, #tpu.memory_space<semaphore_mem>>
      %dma_start3A_759 = tpu.memref_slice %arg3[%mul3A_2] : memref<272xi32, #tpu.memory_space<hbm>> -> memref<16xi32, #tpu.memory_space<hbm>>
      %dma_start3A_760 = tpu.memref_slice %arg3[%mul3A_2] : memref<272xi32, #tpu.memory_space<hbm>> -> memref<16xi32, #tpu.memory_space<hbm>>
      tpu.enqueue_dma source(%dma_start3A_760 : memref<16xi32, #tpu.memory_space<hbm>>) target(%arg5 : memref<16xi32, #tpu.memory_space<vmem>>) target_semaphore(%run_scoped3A : memref<!tpu.dma_semaphore, #tpu.memory_space<semaphore_mem>>)
      %dma_wait3A_761 = tpu.memref_slice %arg3[%mul3A_2] : memref<272xi32, #tpu.memory_space<hbm>> -> memref<16xi32, #tpu.memory_space<hbm>>
      %dma_wait3A_762 = tpu.memref_slice %arg3[%mul3A_2] : memref<272xi32, #tpu.memory_space<hbm>> -> memref<16xi32, #tpu.memory_space<hbm>>
      tpu.wait_dma2 semaphore(%run_scoped3A : memref<!tpu.dma_semaphore, #tpu.memory_space<semaphore_mem>>) src(%dma_wait3A_762 : memref<16xi32, #tpu.memory_space<hbm>>) dst(%arg5 : memref<16xi32, #tpu.memory_space<vmem>>)
      tpu.yield
    }) : () -> ()
    %get3A = arith.constant 0 : index
    %get3A_3 = tpu.vector_load %arg5[%get3A] {strides = array<i32>} : memref<16xi32, #tpu.memory_space<vmem>>, vector<16xi32>,
    %shift_right_arithmetic3A = arith.constant 11 : i32
    %shift_right_arithmetic3A_4 = vector.broadcast %shift_right_arithmetic3A : i32 to vector<16xi32>
    %shift_right_arithmetic3A_5 = arith.shrsi %get3A_3, %shift_right_arithmetic3A_4 : vector<16xi32>
    %and3A = arith.constant 2047 : i32
    %and3A_6 = vector.broadcast %and3A : i32 to vector<16xi32>
    %and3A_7 = arith.andi %get3A_3, %and3A_6 : vector<16xi32>
    %mul3A_8 = arith.constant 128 : i32
    %mul3A_9 = vector.broadcast %mul3A_8 : i32 to vector<16xi32>
    %mul3A_10 = arith.muli %shift_right_arithmetic3A_5, %mul3A_9 : vector<16xi32>
    %shift_right_arithmetic3A_11 = arith.constant 7 : i32
    %shift_right_arithmetic3A_12 = vector.broadcast %shift_right_arithmetic3A_11 : i32 to vector<16xi32>
    %shift_right_arithmetic3A_13 = arith.shrsi %and3A_7, %shift_right_arithmetic3A_12 : vector<16xi32>
    %add3A_14 = arith.addi %mul3A_10, %shift_right_arithmetic3A_13 : vector<16xi32>
    %and3A_15 = arith.constant 127 : i32
    %and3A_16 = vector.broadcast %and3A_15 : i32 to vector<16xi32>
    %and3A_17 = arith.andi %and3A_7, %and3A_16 : vector<16xi32>
    %iota3A = tpu.iota {dimensions = array<i32: 0>} : vector<16xi32>
    %shift_right_arithmetic3A_18 = arith.constant 3 : i32
    %shift_right_arithmetic3A_19 = vector.broadcast %shift_right_arithmetic3A_18 : i32 to vector<16xi32>
    %shift_right_arithmetic3A_20 = arith.shrsi %iota3A, %shift_right_arithmetic3A_19 : vector<16xi32>
    %add3A_21 = arith.constant 0 : i32
    %add3A_22 = vector.broadcast %add3A_21 : i32 to vector<16xi32>
    %add3A_23 = arith.addi %add3A_22, %shift_right_arithmetic3A_20 : vector<16xi32>
    %lt3A = arith.constant 0 : i32
    %lt3A_24 = vector.broadcast %lt3A : i32 to vector<16xi32>
    %lt3A_25 = arith.cmpi slt, %add3A_23, %lt3A_24 : vector<16xi32>
    %add3A_26 = arith.constant 16 : i32
    %add3A_27 = vector.broadcast %add3A_26 : i32 to vector<16xi32>
    %add3A_28 = arith.addi %add3A_23, %add3A_27 : vector<16xi32>
    %select_n3A = arith.select %lt3A_25, %add3A_28, %add3A_23 : vector<16xi1>, vector<16xi32>
    %broadcast_in_dim3A = vector.shape_cast %select_n3A : vector<16xi32> to vector<16x1xi32>
    %gather3A = vector.shape_cast %broadcast_in_dim3A : vector<16x1xi32> to vector<16xi32>
    %gather3A_29 = tpu.dynamic_gather %add3A_14[%gather3A] in [0] : vector<16xi32>, vector<16xi32> -> vector<16xi32>
    %and3A_30 = arith.constant 7 : i32
    %and3A_31 = vector.broadcast %and3A_30 : i32 to vector<16xi32>
    %and3A_32 = arith.andi %iota3A, %and3A_31 : vector<16xi32>
    %mul3A_33 = arith.constant 16 : i32
    %mul3A_34 = vector.broadcast %mul3A_33 : i32 to vector<16xi32>
    %mul3A_35 = arith.muli %and3A_32, %mul3A_34 : vector<16xi32>
    %add3A_36 = arith.addi %gather3A_29, %mul3A_35 : vector<16xi32>
    %swap3A = arith.constant 0 : index
    %swap3A_37 = tpu.vector_load %arg6[%swap3A] {strides = array<i32>} : memref<64xi32, #tpu.memory_space<vmem>>, vector<16xi32>,
    tpu.vector_store %arg6[%swap3A], %add3A_36 {strides = array<i32>} : memref<64xi32, #tpu.memory_space<vmem>>, vector<16xi32>,
    %shift_right_arithmetic3A_38 = arith.constant 3 : i32
    %shift_right_arithmetic3A_39 = vector.broadcast %shift_right_arithmetic3A_38 : i32 to vector<16xi32>
    %shift_right_arithmetic3A_40 = arith.shrsi %iota3A, %shift_right_arithmetic3A_39 : vector<16xi32>
    %add3A_41 = arith.constant 2 : i32
    %add3A_42 = vector.broadcast %add3A_41 : i32 to vector<16xi32>
    %add3A_43 = arith.addi %add3A_42, %shift_right_arithmetic3A_40 : vector<16xi32>
    %lt3A_44 = arith.constant 0 : i32
    %lt3A_45 = vector.broadcast %lt3A_44 : i32 to vector<16xi32>
    %lt3A_46 = arith.cmpi slt, %add3A_43, %lt3A_45 : vector<16xi32>
    %add3A_47 = arith.constant 16 : i32
    %add3A_48 = vector.broadcast %add3A_47 : i32 to vector<16xi32>
    %add3A_49 = arith.addi %add3A_43, %add3A_48 : vector<16xi32>
    %select_n3A_50 = arith.select %lt3A_46, %add3A_49, %add3A_43 : vector<16xi1>, vector<16xi32>
    %broadcast_in_dim3A_51 = vector.shape_cast %select_n3A_50 : vector<16xi32> to vector<16x1xi32>
    %gather3A_52 = vector.shape_cast %broadcast_in_dim3A_51 : vector<16x1xi32> to vector<16xi32>
    %gather3A_53 = tpu.dynamic_gather %add3A_14[%gather3A_52] in [0] : vector<16xi32>, vector<16xi32> -> vector<16xi32>
    %and3A_54 = arith.constant 7 : i32
    %and3A_55 = vector.broadcast %and3A_54 : i32 to vector<16xi32>
    %and3A_56 = arith.andi %iota3A, %and3A_55 : vector<16xi32>
    %mul3A_57 = arith.constant 16 : i32
    %mul3A_58 = vector.broadcast %mul3A_57 : i32 to vector<16xi32>
    %mul3A_59 = arith.muli %and3A_56, %mul3A_58 : vector<16xi32>
    %add3A_60 = arith.addi %gather3A_53, %mul3A_59 : vector<16xi32>
    %swap3A_61 = arith.constant 16 : index
    %swap3A_62 = tpu.vector_load %arg6[%swap3A_61] {strides = array<i32>} : memref<64xi32, #tpu.memory_space<vmem>>, vector<16xi32>,
    tpu.vector_store %arg6[%swap3A_61], %add3A_60 {strides = array<i32>} : memref<64xi32, #tpu.memory_space<vmem>>, vector<16xi32>,
    %shift_right_arithmetic3A_63 = arith.constant 3 : i32
    %shift_right_arithmetic3A_64 = vector.broadcast %shift_right_arithmetic3A_63 : i32 to vector<16xi32>
    %shift_right_arithmetic3A_65 = arith.shrsi %iota3A, %shift_right_arithmetic3A_64 : vector<16xi32>
    %add3A_66 = arith.constant 4 : i32
    %add3A_67 = vector.broadcast %add3A_66 : i32 to vector<16xi32>
    %add3A_68 = arith.addi %add3A_67, %shift_right_arithmetic3A_65 : vector<16xi32>
    %lt3A_69 = arith.constant 0 : i32
    %lt3A_70 = vector.broadcast %lt3A_69 : i32 to vector<16xi32>
    %lt3A_71 = arith.cmpi slt, %add3A_68, %lt3A_70 : vector<16xi32>
    %add3A_72 = arith.constant 16 : i32
    %add3A_73 = vector.broadcast %add3A_72 : i32 to vector<16xi32>
    %add3A_74 = arith.addi %add3A_68, %add3A_73 : vector<16xi32>
    %select_n3A_75 = arith.select %lt3A_71, %add3A_74, %add3A_68 : vector<16xi1>, vector<16xi32>
    %broadcast_in_dim3A_76 = vector.shape_cast %select_n3A_75 : vector<16xi32> to vector<16x1xi32>
    %gather3A_77 = vector.shape_cast %broadcast_in_dim3A_76 : vector<16x1xi32> to vector<16xi32>
    %gather3A_78 = tpu.dynamic_gather %add3A_14[%gather3A_77] in [0] : vector<16xi32>, vector<16xi32> -> vector<16xi32>
    %and3A_79 = arith.constant 7 : i32
    %and3A_80 = vector.broadcast %and3A_79 : i32 to vector<16xi32>
    %and3A_81 = arith.andi %iota3A, %and3A_80 : vector<16xi32>
    %mul3A_82 = arith.constant 16 : i32
    %mul3A_83 = vector.broadcast %mul3A_82 : i32 to vector<16xi32>
    %mul3A_84 = arith.muli %and3A_81, %mul3A_83 : vector<16xi32>
    %add3A_85 = arith.addi %gather3A_78, %mul3A_84 : vector<16xi32>
    %swap3A_86 = arith.constant 32 : index
    %swap3A_87 = tpu.vector_load %arg6[%swap3A_86] {strides = array<i32>} : memref<64xi32, #tpu.memory_space<vmem>>, vector<16xi32>,
    tpu.vector_store %arg6[%swap3A_86], %add3A_85 {strides = array<i32>} : memref<64xi32, #tpu.memory_space<vmem>>, vector<16xi32>,
    %shift_right_arithmetic3A_88 = arith.constant 3 : i32
    %shift_right_arithmetic3A_89 = vector.broadcast %shift_right_arithmetic3A_88 : i32 to vector<16xi32>
    %shift_right_arithmetic3A_90 = arith.shrsi %iota3A, %shift_right_arithmetic3A_89 : vector<16xi32>
    %add3A_91 = arith.constant 6 : i32
    %add3A_92 = vector.broadcast %add3A_91 : i32 to vector<16xi32>
    %add3A_93 = arith.addi %add3A_92, %shift_right_arithmetic3A_90 : vector<16xi32>
    %lt3A_94 = arith.constant 0 : i32
    %lt3A_95 = vector.broadcast %lt3A_94 : i32 to vector<16xi32>
    %lt3A_96 = arith.cmpi slt, %add3A_93, %lt3A_95 : vector<16xi32>
    %add3A_97 = arith.constant 16 : i32
    %add3A_98 = vector.broadcast %add3A_97 : i32 to vector<16xi32>
    %add3A_99 = arith.addi %add3A_93, %add3A_98 : vector<16xi32>
    %select_n3A_100 = arith.select %lt3A_96, %add3A_99, %add3A_93 : vector<16xi1>, vector<16xi32>
    %broadcast_in_dim3A_101 = vector.shape_cast %select_n3A_100 : vector<16xi32> to vector<16x1xi32>
    %gather3A_102 = vector.shape_cast %broadcast_in_dim3A_101 : vector<16x1xi32> to vector<16xi32>
    %gather3A_103 = tpu.dynamic_gather %add3A_14[%gather3A_102] in [0] : vector<16xi32>, vector<16xi32> -> vector<16xi32>
    %and3A_104 = arith.constant 7 : i32
    %and3A_105 = vector.broadcast %and3A_104 : i32 to vector<16xi32>
    %and3A_106 = arith.andi %iota3A, %and3A_105 : vector<16xi32>
    %mul3A_107 = arith.constant 16 : i32
    %mul3A_108 = vector.broadcast %mul3A_107 : i32 to vector<16xi32>
    %mul3A_109 = arith.muli %and3A_106, %mul3A_108 : vector<16xi32>
    %add3A_110 = arith.addi %gather3A_103, %mul3A_109 : vector<16xi32>
    %swap3A_111 = arith.constant 48 : index
    %swap3A_112 = tpu.vector_load %arg6[%swap3A_111] {strides = array<i32>} : memref<64xi32, #tpu.memory_space<vmem>>, vector<16xi32>,
    tpu.vector_store %arg6[%swap3A_111], %add3A_110 {strides = array<i32>} : memref<64xi32, #tpu.memory_space<vmem>>, vector<16xi32>,
    %dma_start3A = arith.constant 0 : i32
    %dma_start3A_113 = arith.constant 0 : i32
    %dma_start3A_114 = arith.constant 0 : i32
    %dma_start3A_115 = tpu.memref_slice %arg2[%dma_start3A, %dma_start3A_113, %dma_start3A_114] : memref<16384x8x128xf32, #tpu.memory_space<hbm>> -> memref<16384x8x128xf32, #tpu.memory_space<hbm>>
    tpu.enqueue_indirect_dma source(%dma_start3A_115 : memref<16384x8x128xf32, #tpu.memory_space<hbm>>) target(%arg7 : memref<64x8x128xf32, #tpu.memory_space<vmem>>) offsets(%arg6 : memref<64xi32, #tpu.memory_space<vmem>>) semaphore(%arg9 : memref<!tpu.dma_semaphore, #tpu.memory_space<semaphore_mem>>)
    %dma_wait3A = arith.constant 0 : i32
    %dma_wait3A_116 = arith.constant 0 : i32
    %dma_wait3A_117 = arith.constant 0 : i32
    %dma_wait3A_118 = tpu.memref_slice %arg2[%dma_wait3A, %dma_wait3A_116, %dma_wait3A_117] : memref<16384x8x128xf32, #tpu.memory_space<hbm>> -> memref<16384x8x128xf32, #tpu.memory_space<hbm>>
    tpu.wait_indirect_dma semaphore(%arg9 : memref<!tpu.dma_semaphore, #tpu.memory_space<semaphore_mem>>) src(%dma_wait3A_118 : memref<16384x8x128xf32, #tpu.memory_space<hbm>>) dst(%arg7 : memref<64x8x128xf32, #tpu.memory_space<vmem>>)
    %broadcast_in_dim3A_119 = arith.constant 0 : i32
    %broadcast_in_dim3A_120 = vector.broadcast %broadcast_in_dim3A_119 : i32 to vector<16xi32>
    %lt3A_121 = arith.constant 0 : i32
    %lt3A_122 = vector.broadcast %lt3A_121 : i32 to vector<16xi32>
    %lt3A_123 = arith.cmpi slt, %broadcast_in_dim3A_120, %lt3A_122 : vector<16xi32>
    %add3A_124 = arith.constant 16 : i32
    %add3A_125 = vector.broadcast %add3A_124 : i32 to vector<16xi32>
    %add3A_126 = arith.addi %broadcast_in_dim3A_120, %add3A_125 : vector<16xi32>
    %select_n3A_127 = arith.select %lt3A_123, %add3A_126, %broadcast_in_dim3A_120 : vector<16xi1>, vector<16xi32>
    %broadcast_in_dim3A_128 = vector.shape_cast %select_n3A_127 : vector<16xi32> to vector<16x1xi32>
    %gather3A_129 = vector.shape_cast %broadcast_in_dim3A_128 : vector<16x1xi32> to vector<16xi32>
    %gather3A_130 = tpu.dynamic_gather %and3A_17[%gather3A_129] in [0] : vector<16xi32>, vector<16xi32> -> vector<16xi32>
    %add3A_131 = arith.constant 0 : i32
    %add3A_132 = vector.broadcast %add3A_131 : i32 to vector<16xi32>
    %add3A_133 = arith.addi %add3A_132, %iota3A : vector<16xi32>
    %shift_right_arithmetic3A_134 = arith.constant 3 : i32
    %shift_right_arithmetic3A_135 = vector.broadcast %shift_right_arithmetic3A_134 : i32 to vector<16xi32>
    %shift_right_arithmetic3A_136 = arith.shrsi %add3A_133, %shift_right_arithmetic3A_135 : vector<16xi32>
    %add3A_137 = arith.constant 0 : i32
    %add3A_138 = vector.broadcast %add3A_137 : i32 to vector<16xi32>
    %add3A_139 = arith.addi %add3A_138, %shift_right_arithmetic3A_136 : vector<16xi32>
    %and3A_140 = arith.constant 7 : i32
    %and3A_141 = vector.broadcast %and3A_140 : i32 to vector<16xi32>
    %and3A_142 = arith.andi %add3A_133, %and3A_141 : vector<16xi32>
    %gather3A_143 = tpu.vector_load_idx %arg7[%add3A_139, %and3A_142, %gather3A_130] : memref<64x8x128xf32, #tpu.memory_space<vmem>>[vector<16xi32>, vector<16xi32>, vector<16xi32>], vector<16xf32>,
    %swap3A_144 = arith.constant 0 : i32
    %swap3A_145 = arith.index_cast %swap3A_144 : i32 to index
    %swap3A_146 = arith.constant 0 : index
    %swap3A_147 = tpu.vector_load %arg8[%swap3A_145, %swap3A_146] {strides = array<i32>} : memref<8x64xf32, #tpu.memory_space<vmem>>, vector<16xf32>,
    tpu.vector_store %arg8[%swap3A_145, %swap3A_146], %gather3A_143 {strides = array<i32>} : memref<8x64xf32, #tpu.memory_space<vmem>>, vector<16xf32>,
    %add3A_148 = arith.constant 16 : i32
    %add3A_149 = vector.broadcast %add3A_148 : i32 to vector<16xi32>
    %add3A_150 = arith.addi %add3A_149, %iota3A : vector<16xi32>
    %shift_right_arithmetic3A_151 = arith.constant 3 : i32
    %shift_right_arithmetic3A_152 = vector.broadcast %shift_right_arithmetic3A_151 : i32 to vector<16xi32>
    %shift_right_arithmetic3A_153 = arith.shrsi %add3A_150, %shift_right_arithmetic3A_152 : vector<16xi32>
    %add3A_154 = arith.constant 0 : i32
    %add3A_155 = vector.broadcast %add3A_154 : i32 to vector<16xi32>
    %add3A_156 = arith.addi %add3A_155, %shift_right_arithmetic3A_153 : vector<16xi32>
    %and3A_157 = arith.constant 7 : i32
    %and3A_158 = vector.broadcast %and3A_157 : i32 to vector<16xi32>
    %and3A_159 = arith.andi %add3A_150, %and3A_158 : vector<16xi32>
    %gather3A_160 = tpu.vector_load_idx %arg7[%add3A_156, %and3A_159, %gather3A_130] : memref<64x8x128xf32, #tpu.memory_space<vmem>>[vector<16xi32>, vector<16xi32>, vector<16xi32>], vector<16xf32>,
    %swap3A_161 = arith.constant 0 : i32
    %swap3A_162 = arith.index_cast %swap3A_161 : i32 to index
    %swap3A_163 = arith.constant 16 : index
    %swap3A_164 = tpu.vector_load %arg8[%swap3A_162, %swap3A_163] {strides = array<i32>} : memref<8x64xf32, #tpu.memory_space<vmem>>, vector<16xf32>,
    tpu.vector_store %arg8[%swap3A_162, %swap3A_163], %gather3A_160 {strides = array<i32>} : memref<8x64xf32, #tpu.memory_space<vmem>>, vector<16xf32>,
    %add3A_165 = arith.constant 32 : i32
    %add3A_166 = vector.broadcast %add3A_165 : i32 to vector<16xi32>
    %add3A_167 = arith.addi %add3A_166, %iota3A : vector<16xi32>
    %shift_right_arithmetic3A_168 = arith.constant 3 : i32
    %shift_right_arithmetic3A_169 = vector.broadcast %shift_right_arithmetic3A_168 : i32 to vector<16xi32>
    %shift_right_arithmetic3A_170 = arith.shrsi %add3A_167, %shift_right_arithmetic3A_169 : vector<16xi32>
    %add3A_171 = arith.constant 0 : i32
    %add3A_172 = vector.broadcast %add3A_171 : i32 to vector<16xi32>
    %add3A_173 = arith.addi %add3A_172, %shift_right_arithmetic3A_170 : vector<16xi32>
    %and3A_174 = arith.constant 7 : i32
    %and3A_175 = vector.broadcast %and3A_174 : i32 to vector<16xi32>
    %and3A_176 = arith.andi %add3A_167, %and3A_175 : vector<16xi32>
    %gather3A_177 = tpu.vector_load_idx %arg7[%add3A_173, %and3A_176, %gather3A_130] : memref<64x8x128xf32, #tpu.memory_space<vmem>>[vector<16xi32>, vector<16xi32>, vector<16xi32>], vector<16xf32>,
    %swap3A_178 = arith.constant 0 : i32
    %swap3A_179 = arith.index_cast %swap3A_178 : i32 to index
    %swap3A_180 = arith.constant 32 : index
    %swap3A_181 = tpu.vector_load %arg8[%swap3A_179, %swap3A_180] {strides = array<i32>} : memref<8x64xf32, #tpu.memory_space<vmem>>, vector<16xf32>,
    tpu.vector_store %arg8[%swap3A_179, %swap3A_180], %gather3A_177 {strides = array<i32>} : memref<8x64xf32, #tpu.memory_space<vmem>>, vector<16xf32>,
    %add3A_182 = arith.constant 48 : i32
    %add3A_183 = vector.broadcast %add3A_182 : i32 to vector<16xi32>
    %add3A_184 = arith.addi %add3A_183, %iota3A : vector<16xi32>
    %shift_right_arithmetic3A_185 = arith.constant 3 : i32
    %shift_right_arithmetic3A_186 = vector.broadcast %shift_right_arithmetic3A_185 : i32 to vector<16xi32>
    %shift_right_arithmetic3A_187 = arith.shrsi %add3A_184, %shift_right_arithmetic3A_186 : vector<16xi32>
    %add3A_188 = arith.constant 0 : i32
    %add3A_189 = vector.broadcast %add3A_188 : i32 to vector<16xi32>
    %add3A_190 = arith.addi %add3A_189, %shift_right_arithmetic3A_187 : vector<16xi32>
    %and3A_191 = arith.constant 7 : i32
    %and3A_192 = vector.broadcast %and3A_191 : i32 to vector<16xi32>
    %and3A_193 = arith.andi %add3A_184, %and3A_192 : vector<16xi32>
    %gather3A_194 = tpu.vector_load_idx %arg7[%add3A_190, %and3A_193, %gather3A_130] : memref<64x8x128xf32, #tpu.memory_space<vmem>>[vector<16xi32>, vector<16xi32>, vector<16xi32>], vector<16xf32>,
    %swap3A_195 = arith.constant 0 : i32
    %swap3A_196 = arith.index_cast %swap3A_195 : i32 to index
    %swap3A_197 = arith.constant 48 : index
    %swap3A_198 = tpu.vector_load %arg8[%swap3A_196, %swap3A_197] {strides = array<i32>} : memref<8x64xf32, #tpu.memory_space<vmem>>, vector<16xf32>,
    tpu.vector_store %arg8[%swap3A_196, %swap3A_197], %gather3A_194 {strides = array<i32>} : memref<8x64xf32, #tpu.memory_space<vmem>>, vector<16xf32>,
    %broadcast_in_dim3A_199 = arith.constant 1 : i32
    %broadcast_in_dim3A_200 = vector.broadcast %broadcast_in_dim3A_199 : i32 to vector<16xi32>
    %lt3A_201 = arith.constant 0 : i32
    %lt3A_202 = vector.broadcast %lt3A_201 : i32 to vector<16xi32>
    %lt3A_203 = arith.cmpi slt, %broadcast_in_dim3A_200, %lt3A_202 : vector<16xi32>
    %add3A_204 = arith.constant 16 : i32
    %add3A_205 = vector.broadcast %add3A_204 : i32 to vector<16xi32>
    %add3A_206 = arith.addi %broadcast_in_dim3A_200, %add3A_205 : vector<16xi32>
    %select_n3A_207 = arith.select %lt3A_203, %add3A_206, %broadcast_in_dim3A_200 : vector<16xi1>, vector<16xi32>
    %broadcast_in_dim3A_208 = vector.shape_cast %select_n3A_207 : vector<16xi32> to vector<16x1xi32>
    %gather3A_209 = vector.shape_cast %broadcast_in_dim3A_208 : vector<16x1xi32> to vector<16xi32>
    %gather3A_210 = tpu.dynamic_gather %and3A_17[%gather3A_209] in [0] : vector<16xi32>, vector<16xi32> -> vector<16xi32>
    %add3A_211 = arith.constant 0 : i32
    %add3A_212 = vector.broadcast %add3A_211 : i32 to vector<16xi32>
    %add3A_213 = arith.addi %add3A_212, %iota3A : vector<16xi32>
    %shift_right_arithmetic3A_214 = arith.constant 3 : i32
    %shift_right_arithmetic3A_215 = vector.broadcast %shift_right_arithmetic3A_214 : i32 to vector<16xi32>
    %shift_right_arithmetic3A_216 = arith.shrsi %add3A_213, %shift_right_arithmetic3A_215 : vector<16xi32>
    %add3A_217 = arith.constant 8 : i32
    %add3A_218 = vector.broadcast %add3A_217 : i32 to vector<16xi32>
    %add3A_219 = arith.addi %add3A_218, %shift_right_arithmetic3A_216 : vector<16xi32>
    %and3A_220 = arith.constant 7 : i32
    %and3A_221 = vector.broadcast %and3A_220 : i32 to vector<16xi32>
    %and3A_222 = arith.andi %add3A_213, %and3A_221 : vector<16xi32>
    %gather3A_223 = tpu.vector_load_idx %arg7[%add3A_219, %and3A_222, %gather3A_210] : memref<64x8x128xf32, #tpu.memory_space<vmem>>[vector<16xi32>, vector<16xi32>, vector<16xi32>], vector<16xf32>,
    %swap3A_224 = arith.constant 1 : i32
    %swap3A_225 = arith.index_cast %swap3A_224 : i32 to index
    %swap3A_226 = arith.constant 0 : index
    %swap3A_227 = tpu.vector_load %arg8[%swap3A_225, %swap3A_226] {strides = array<i32>} : memref<8x64xf32, #tpu.memory_space<vmem>>, vector<16xf32>,
    tpu.vector_store %arg8[%swap3A_225, %swap3A_226], %gather3A_223 {strides = array<i32>} : memref<8x64xf32, #tpu.memory_space<vmem>>, vector<16xf32>,
    %add3A_228 = arith.constant 16 : i32
    %add3A_229 = vector.broadcast %add3A_228 : i32 to vector<16xi32>
    %add3A_230 = arith.addi %add3A_229, %iota3A : vector<16xi32>
    %shift_right_arithmetic3A_231 = arith.constant 3 : i32
    %shift_right_arithmetic3A_232 = vector.broadcast %shift_right_arithmetic3A_231 : i32 to vector<16xi32>
    %shift_right_arithmetic3A_233 = arith.shrsi %add3A_230, %shift_right_arithmetic3A_232 : vector<16xi32>
    %add3A_234 = arith.constant 8 : i32
    %add3A_235 = vector.broadcast %add3A_234 : i32 to vector<16xi32>
    %add3A_236 = arith.addi %add3A_235, %shift_right_arithmetic3A_233 : vector<16xi32>
    %and3A_237 = arith.constant 7 : i32
    %and3A_238 = vector.broadcast %and3A_237 : i32 to vector<16xi32>
    %and3A_239 = arith.andi %add3A_230, %and3A_238 : vector<16xi32>
    %gather3A_240 = tpu.vector_load_idx %arg7[%add3A_236, %and3A_239, %gather3A_210] : memref<64x8x128xf32, #tpu.memory_space<vmem>>[vector<16xi32>, vector<16xi32>, vector<16xi32>], vector<16xf32>,
    %swap3A_241 = arith.constant 1 : i32
    %swap3A_242 = arith.index_cast %swap3A_241 : i32 to index
    %swap3A_243 = arith.constant 16 : index
    %swap3A_244 = tpu.vector_load %arg8[%swap3A_242, %swap3A_243] {strides = array<i32>} : memref<8x64xf32, #tpu.memory_space<vmem>>, vector<16xf32>,
    tpu.vector_store %arg8[%swap3A_242, %swap3A_243], %gather3A_240 {strides = array<i32>} : memref<8x64xf32, #tpu.memory_space<vmem>>, vector<16xf32>,
    %add3A_245 = arith.constant 32 : i32
    %add3A_246 = vector.broadcast %add3A_245 : i32 to vector<16xi32>
    %add3A_247 = arith.addi %add3A_246, %iota3A : vector<16xi32>
    %shift_right_arithmetic3A_248 = arith.constant 3 : i32
    %shift_right_arithmetic3A_249 = vector.broadcast %shift_right_arithmetic3A_248 : i32 to vector<16xi32>
    %shift_right_arithmetic3A_250 = arith.shrsi %add3A_247, %shift_right_arithmetic3A_249 : vector<16xi32>
    %add3A_251 = arith.constant 8 : i32
    %add3A_252 = vector.broadcast %add3A_251 : i32 to vector<16xi32>
    %add3A_253 = arith.addi %add3A_252, %shift_right_arithmetic3A_250 : vector<16xi32>
    %and3A_254 = arith.constant 7 : i32
    %and3A_255 = vector.broadcast %and3A_254 : i32 to vector<16xi32>
    %and3A_256 = arith.andi %add3A_247, %and3A_255 : vector<16xi32>
    %gather3A_257 = tpu.vector_load_idx %arg7[%add3A_253, %and3A_256, %gather3A_210] : memref<64x8x128xf32, #tpu.memory_space<vmem>>[vector<16xi32>, vector<16xi32>, vector<16xi32>], vector<16xf32>,
    %swap3A_258 = arith.constant 1 : i32
    %swap3A_259 = arith.index_cast %swap3A_258 : i32 to index
    %swap3A_260 = arith.constant 32 : index
    %swap3A_261 = tpu.vector_load %arg8[%swap3A_259, %swap3A_260] {strides = array<i32>} : memref<8x64xf32, #tpu.memory_space<vmem>>, vector<16xf32>,
    tpu.vector_store %arg8[%swap3A_259, %swap3A_260], %gather3A_257 {strides = array<i32>} : memref<8x64xf32, #tpu.memory_space<vmem>>, vector<16xf32>,
    %add3A_262 = arith.constant 48 : i32
    %add3A_263 = vector.broadcast %add3A_262 : i32 to vector<16xi32>
    %add3A_264 = arith.addi %add3A_263, %iota3A : vector<16xi32>
    %shift_right_arithmetic3A_265 = arith.constant 3 : i32
    %shift_right_arithmetic3A_266 = vector.broadcast %shift_right_arithmetic3A_265 : i32 to vector<16xi32>
    %shift_right_arithmetic3A_267 = arith.shrsi %add3A_264, %shift_right_arithmetic3A_266 : vector<16xi32>
    %add3A_268 = arith.constant 8 : i32
    %add3A_269 = vector.broadcast %add3A_268 : i32 to vector<16xi32>
    %add3A_270 = arith.addi %add3A_269, %shift_right_arithmetic3A_267 : vector<16xi32>
    %and3A_271 = arith.constant 7 : i32
    %and3A_272 = vector.broadcast %and3A_271 : i32 to vector<16xi32>
    %and3A_273 = arith.andi %add3A_264, %and3A_272 : vector<16xi32>
    %gather3A_274 = tpu.vector_load_idx %arg7[%add3A_270, %and3A_273, %gather3A_210] : memref<64x8x128xf32, #tpu.memory_space<vmem>>[vector<16xi32>, vector<16xi32>, vector<16xi32>], vector<16xf32>,
    %swap3A_275 = arith.constant 1 : i32
    %swap3A_276 = arith.index_cast %swap3A_275 : i32 to index
    %swap3A_277 = arith.constant 48 : index
    %swap3A_278 = tpu.vector_load %arg8[%swap3A_276, %swap3A_277] {strides = array<i32>} : memref<8x64xf32, #tpu.memory_space<vmem>>, vector<16xf32>,
    tpu.vector_store %arg8[%swap3A_276, %swap3A_277], %gather3A_274 {strides = array<i32>} : memref<8x64xf32, #tpu.memory_space<vmem>>, vector<16xf32>,
    %broadcast_in_dim3A_279 = arith.constant 2 : i32
    %broadcast_in_dim3A_280 = vector.broadcast %broadcast_in_dim3A_279 : i32 to vector<16xi32>
    %lt3A_281 = arith.constant 0 : i32
    %lt3A_282 = vector.broadcast %lt3A_281 : i32 to vector<16xi32>
    %lt3A_283 = arith.cmpi slt, %broadcast_in_dim3A_280, %lt3A_282 : vector<16xi32>
    %add3A_284 = arith.constant 16 : i32
    %add3A_285 = vector.broadcast %add3A_284 : i32 to vector<16xi32>
    %add3A_286 = arith.addi %broadcast_in_dim3A_280, %add3A_285 : vector<16xi32>
    %select_n3A_287 = arith.select %lt3A_283, %add3A_286, %broadcast_in_dim3A_280 : vector<16xi1>, vector<16xi32>
    %broadcast_in_dim3A_288 = vector.shape_cast %select_n3A_287 : vector<16xi32> to vector<16x1xi32>
    %gather3A_289 = vector.shape_cast %broadcast_in_dim3A_288 : vector<16x1xi32> to vector<16xi32>
    %gather3A_290 = tpu.dynamic_gather %and3A_17[%gather3A_289] in [0] : vector<16xi32>, vector<16xi32> -> vector<16xi32>
    %add3A_291 = arith.constant 0 : i32
    %add3A_292 = vector.broadcast %add3A_291 : i32 to vector<16xi32>
    %add3A_293 = arith.addi %add3A_292, %iota3A : vector<16xi32>
    %shift_right_arithmetic3A_294 = arith.constant 3 : i32
    %shift_right_arithmetic3A_295 = vector.broadcast %shift_right_arithmetic3A_294 : i32 to vector<16xi32>
    %shift_right_arithmetic3A_296 = arith.shrsi %add3A_293, %shift_right_arithmetic3A_295 : vector<16xi32>
    %add3A_297 = arith.constant 16 : i32
    %add3A_298 = vector.broadcast %add3A_297 : i32 to vector<16xi32>
    %add3A_299 = arith.addi %add3A_298, %shift_right_arithmetic3A_296 : vector<16xi32>
    %and3A_300 = arith.constant 7 : i32
    %and3A_301 = vector.broadcast %and3A_300 : i32 to vector<16xi32>
    %and3A_302 = arith.andi %add3A_293, %and3A_301 : vector<16xi32>
    %gather3A_303 = tpu.vector_load_idx %arg7[%add3A_299, %and3A_302, %gather3A_290] : memref<64x8x128xf32, #tpu.memory_space<vmem>>[vector<16xi32>, vector<16xi32>, vector<16xi32>], vector<16xf32>,
    %swap3A_304 = arith.constant 2 : i32
    %swap3A_305 = arith.index_cast %swap3A_304 : i32 to index
    %swap3A_306 = arith.constant 0 : index
    %swap3A_307 = tpu.vector_load %arg8[%swap3A_305, %swap3A_306] {strides = array<i32>} : memref<8x64xf32, #tpu.memory_space<vmem>>, vector<16xf32>,
    tpu.vector_store %arg8[%swap3A_305, %swap3A_306], %gather3A_303 {strides = array<i32>} : memref<8x64xf32, #tpu.memory_space<vmem>>, vector<16xf32>,
    %add3A_308 = arith.constant 16 : i32
    %add3A_309 = vector.broadcast %add3A_308 : i32 to vector<16xi32>
    %add3A_310 = arith.addi %add3A_309, %iota3A : vector<16xi32>
    %shift_right_arithmetic3A_311 = arith.constant 3 : i32
    %shift_right_arithmetic3A_312 = vector.broadcast %shift_right_arithmetic3A_311 : i32 to vector<16xi32>
    %shift_right_arithmetic3A_313 = arith.shrsi %add3A_310, %shift_right_arithmetic3A_312 : vector<16xi32>
    %add3A_314 = arith.constant 16 : i32
    %add3A_315 = vector.broadcast %add3A_314 : i32 to vector<16xi32>
    %add3A_316 = arith.addi %add3A_315, %shift_right_arithmetic3A_313 : vector<16xi32>
    %and3A_317 = arith.constant 7 : i32
    %and3A_318 = vector.broadcast %and3A_317 : i32 to vector<16xi32>
    %and3A_319 = arith.andi %add3A_310, %and3A_318 : vector<16xi32>
    %gather3A_320 = tpu.vector_load_idx %arg7[%add3A_316, %and3A_319, %gather3A_290] : memref<64x8x128xf32, #tpu.memory_space<vmem>>[vector<16xi32>, vector<16xi32>, vector<16xi32>], vector<16xf32>,
    %swap3A_321 = arith.constant 2 : i32
    %swap3A_322 = arith.index_cast %swap3A_321 : i32 to index
    %swap3A_323 = arith.constant 16 : index
    %swap3A_324 = tpu.vector_load %arg8[%swap3A_322, %swap3A_323] {strides = array<i32>} : memref<8x64xf32, #tpu.memory_space<vmem>>, vector<16xf32>,
    tpu.vector_store %arg8[%swap3A_322, %swap3A_323], %gather3A_320 {strides = array<i32>} : memref<8x64xf32, #tpu.memory_space<vmem>>, vector<16xf32>,
    %add3A_325 = arith.constant 32 : i32
    %add3A_326 = vector.broadcast %add3A_325 : i32 to vector<16xi32>
    %add3A_327 = arith.addi %add3A_326, %iota3A : vector<16xi32>
    %shift_right_arithmetic3A_328 = arith.constant 3 : i32
    %shift_right_arithmetic3A_329 = vector.broadcast %shift_right_arithmetic3A_328 : i32 to vector<16xi32>
    %shift_right_arithmetic3A_330 = arith.shrsi %add3A_327, %shift_right_arithmetic3A_329 : vector<16xi32>
    %add3A_331 = arith.constant 16 : i32
    %add3A_332 = vector.broadcast %add3A_331 : i32 to vector<16xi32>
    %add3A_333 = arith.addi %add3A_332, %shift_right_arithmetic3A_330 : vector<16xi32>
    %and3A_334 = arith.constant 7 : i32
    %and3A_335 = vector.broadcast %and3A_334 : i32 to vector<16xi32>
    %and3A_336 = arith.andi %add3A_327, %and3A_335 : vector<16xi32>
    %gather3A_337 = tpu.vector_load_idx %arg7[%add3A_333, %and3A_336, %gather3A_290] : memref<64x8x128xf32, #tpu.memory_space<vmem>>[vector<16xi32>, vector<16xi32>, vector<16xi32>], vector<16xf32>,
    %swap3A_338 = arith.constant 2 : i32
    %swap3A_339 = arith.index_cast %swap3A_338 : i32 to index
    %swap3A_340 = arith.constant 32 : index
    %swap3A_341 = tpu.vector_load %arg8[%swap3A_339, %swap3A_340] {strides = array<i32>} : memref<8x64xf32, #tpu.memory_space<vmem>>, vector<16xf32>,
    tpu.vector_store %arg8[%swap3A_339, %swap3A_340], %gather3A_337 {strides = array<i32>} : memref<8x64xf32, #tpu.memory_space<vmem>>, vector<16xf32>,
    %add3A_342 = arith.constant 48 : i32
    %add3A_343 = vector.broadcast %add3A_342 : i32 to vector<16xi32>
    %add3A_344 = arith.addi %add3A_343, %iota3A : vector<16xi32>
    %shift_right_arithmetic3A_345 = arith.constant 3 : i32
    %shift_right_arithmetic3A_346 = vector.broadcast %shift_right_arithmetic3A_345 : i32 to vector<16xi32>
    %shift_right_arithmetic3A_347 = arith.shrsi %add3A_344, %shift_right_arithmetic3A_346 : vector<16xi32>
    %add3A_348 = arith.constant 16 : i32
    %add3A_349 = vector.broadcast %add3A_348 : i32 to vector<16xi32>
    %add3A_350 = arith.addi %add3A_349, %shift_right_arithmetic3A_347 : vector<16xi32>
    %and3A_351 = arith.constant 7 : i32
    %and3A_352 = vector.broadcast %and3A_351 : i32 to vector<16xi32>
    %and3A_353 = arith.andi %add3A_344, %and3A_352 : vector<16xi32>
    %gather3A_354 = tpu.vector_load_idx %arg7[%add3A_350, %and3A_353, %gather3A_290] : memref<64x8x128xf32, #tpu.memory_space<vmem>>[vector<16xi32>, vector<16xi32>, vector<16xi32>], vector<16xf32>,
    %swap3A_355 = arith.constant 2 : i32
    %swap3A_356 = arith.index_cast %swap3A_355 : i32 to index
    %swap3A_357 = arith.constant 48 : index
    %swap3A_358 = tpu.vector_load %arg8[%swap3A_356, %swap3A_357] {strides = array<i32>} : memref<8x64xf32, #tpu.memory_space<vmem>>, vector<16xf32>,
    tpu.vector_store %arg8[%swap3A_356, %swap3A_357], %gather3A_354 {strides = array<i32>} : memref<8x64xf32, #tpu.memory_space<vmem>>, vector<16xf32>,
    %broadcast_in_dim3A_359 = arith.constant 3 : i32
    %broadcast_in_dim3A_360 = vector.broadcast %broadcast_in_dim3A_359 : i32 to vector<16xi32>
    %lt3A_361 = arith.constant 0 : i32
    %lt3A_362 = vector.broadcast %lt3A_361 : i32 to vector<16xi32>
    %lt3A_363 = arith.cmpi slt, %broadcast_in_dim3A_360, %lt3A_362 : vector<16xi32>
    %add3A_364 = arith.constant 16 : i32
    %add3A_365 = vector.broadcast %add3A_364 : i32 to vector<16xi32>
    %add3A_366 = arith.addi %broadcast_in_dim3A_360, %add3A_365 : vector<16xi32>
    %select_n3A_367 = arith.select %lt3A_363, %add3A_366, %broadcast_in_dim3A_360 : vector<16xi1>, vector<16xi32>
    %broadcast_in_dim3A_368 = vector.shape_cast %select_n3A_367 : vector<16xi32> to vector<16x1xi32>
    %gather3A_369 = vector.shape_cast %broadcast_in_dim3A_368 : vector<16x1xi32> to vector<16xi32>
    %gather3A_370 = tpu.dynamic_gather %and3A_17[%gather3A_369] in [0] : vector<16xi32>, vector<16xi32> -> vector<16xi32>
    %add3A_371 = arith.constant 0 : i32
    %add3A_372 = vector.broadcast %add3A_371 : i32 to vector<16xi32>
    %add3A_373 = arith.addi %add3A_372, %iota3A : vector<16xi32>
    %shift_right_arithmetic3A_374 = arith.constant 3 : i32
    %shift_right_arithmetic3A_375 = vector.broadcast %shift_right_arithmetic3A_374 : i32 to vector<16xi32>
    %shift_right_arithmetic3A_376 = arith.shrsi %add3A_373, %shift_right_arithmetic3A_375 : vector<16xi32>
    %add3A_377 = arith.constant 24 : i32
    %add3A_378 = vector.broadcast %add3A_377 : i32 to vector<16xi32>
    %add3A_379 = arith.addi %add3A_378, %shift_right_arithmetic3A_376 : vector<16xi32>
    %and3A_380 = arith.constant 7 : i32
    %and3A_381 = vector.broadcast %and3A_380 : i32 to vector<16xi32>
    %and3A_382 = arith.andi %add3A_373, %and3A_381 : vector<16xi32>
    %gather3A_383 = tpu.vector_load_idx %arg7[%add3A_379, %and3A_382, %gather3A_370] : memref<64x8x128xf32, #tpu.memory_space<vmem>>[vector<16xi32>, vector<16xi32>, vector<16xi32>], vector<16xf32>,
    %swap3A_384 = arith.constant 3 : i32
    %swap3A_385 = arith.index_cast %swap3A_384 : i32 to index
    %swap3A_386 = arith.constant 0 : index
    %swap3A_387 = tpu.vector_load %arg8[%swap3A_385, %swap3A_386] {strides = array<i32>} : memref<8x64xf32, #tpu.memory_space<vmem>>, vector<16xf32>,
    tpu.vector_store %arg8[%swap3A_385, %swap3A_386], %gather3A_383 {strides = array<i32>} : memref<8x64xf32, #tpu.memory_space<vmem>>, vector<16xf32>,
    %add3A_388 = arith.constant 16 : i32
    %add3A_389 = vector.broadcast %add3A_388 : i32 to vector<16xi32>
    %add3A_390 = arith.addi %add3A_389, %iota3A : vector<16xi32>
    %shift_right_arithmetic3A_391 = arith.constant 3 : i32
    %shift_right_arithmetic3A_392 = vector.broadcast %shift_right_arithmetic3A_391 : i32 to vector<16xi32>
    %shift_right_arithmetic3A_393 = arith.shrsi %add3A_390, %shift_right_arithmetic3A_392 : vector<16xi32>
    %add3A_394 = arith.constant 24 : i32
    %add3A_395 = vector.broadcast %add3A_394 : i32 to vector<16xi32>
    %add3A_396 = arith.addi %add3A_395, %shift_right_arithmetic3A_393 : vector<16xi32>
    %and3A_397 = arith.constant 7 : i32
    %and3A_398 = vector.broadcast %and3A_397 : i32 to vector<16xi32>
    %and3A_399 = arith.andi %add3A_390, %and3A_398 : vector<16xi32>
    %gather3A_400 = tpu.vector_load_idx %arg7[%add3A_396, %and3A_399, %gather3A_370] : memref<64x8x128xf32, #tpu.memory_space<vmem>>[vector<16xi32>, vector<16xi32>, vector<16xi32>], vector<16xf32>,
    %swap3A_401 = arith.constant 3 : i32
    %swap3A_402 = arith.index_cast %swap3A_401 : i32 to index
    %swap3A_403 = arith.constant 16 : index
    %swap3A_404 = tpu.vector_load %arg8[%swap3A_402, %swap3A_403] {strides = array<i32>} : memref<8x64xf32, #tpu.memory_space<vmem>>, vector<16xf32>,
    tpu.vector_store %arg8[%swap3A_402, %swap3A_403], %gather3A_400 {strides = array<i32>} : memref<8x64xf32, #tpu.memory_space<vmem>>, vector<16xf32>,
    %add3A_405 = arith.constant 32 : i32
    %add3A_406 = vector.broadcast %add3A_405 : i32 to vector<16xi32>
    %add3A_407 = arith.addi %add3A_406, %iota3A : vector<16xi32>
    %shift_right_arithmetic3A_408 = arith.constant 3 : i32
    %shift_right_arithmetic3A_409 = vector.broadcast %shift_right_arithmetic3A_408 : i32 to vector<16xi32>
    %shift_right_arithmetic3A_410 = arith.shrsi %add3A_407, %shift_right_arithmetic3A_409 : vector<16xi32>
    %add3A_411 = arith.constant 24 : i32
    %add3A_412 = vector.broadcast %add3A_411 : i32 to vector<16xi32>
    %add3A_413 = arith.addi %add3A_412, %shift_right_arithmetic3A_410 : vector<16xi32>
    %and3A_414 = arith.constant 7 : i32
    %and3A_415 = vector.broadcast %and3A_414 : i32 to vector<16xi32>
    %and3A_416 = arith.andi %add3A_407, %and3A_415 : vector<16xi32>
    %gather3A_417 = tpu.vector_load_idx %arg7[%add3A_413, %and3A_416, %gather3A_370] : memref<64x8x128xf32, #tpu.memory_space<vmem>>[vector<16xi32>, vector<16xi32>, vector<16xi32>], vector<16xf32>,
    %swap3A_418 = arith.constant 3 : i32
    %swap3A_419 = arith.index_cast %swap3A_418 : i32 to index
    %swap3A_420 = arith.constant 32 : index
    %swap3A_421 = tpu.vector_load %arg8[%swap3A_419, %swap3A_420] {strides = array<i32>} : memref<8x64xf32, #tpu.memory_space<vmem>>, vector<16xf32>,
    tpu.vector_store %arg8[%swap3A_419, %swap3A_420], %gather3A_417 {strides = array<i32>} : memref<8x64xf32, #tpu.memory_space<vmem>>, vector<16xf32>,
    %add3A_422 = arith.constant 48 : i32
    %add3A_423 = vector.broadcast %add3A_422 : i32 to vector<16xi32>
    %add3A_424 = arith.addi %add3A_423, %iota3A : vector<16xi32>
    %shift_right_arithmetic3A_425 = arith.constant 3 : i32
    %shift_right_arithmetic3A_426 = vector.broadcast %shift_right_arithmetic3A_425 : i32 to vector<16xi32>
    %shift_right_arithmetic3A_427 = arith.shrsi %add3A_424, %shift_right_arithmetic3A_426 : vector<16xi32>
    %add3A_428 = arith.constant 24 : i32
    %add3A_429 = vector.broadcast %add3A_428 : i32 to vector<16xi32>
    %add3A_430 = arith.addi %add3A_429, %shift_right_arithmetic3A_427 : vector<16xi32>
    %and3A_431 = arith.constant 7 : i32
    %and3A_432 = vector.broadcast %and3A_431 : i32 to vector<16xi32>
    %and3A_433 = arith.andi %add3A_424, %and3A_432 : vector<16xi32>
    %gather3A_434 = tpu.vector_load_idx %arg7[%add3A_430, %and3A_433, %gather3A_370] : memref<64x8x128xf32, #tpu.memory_space<vmem>>[vector<16xi32>, vector<16xi32>, vector<16xi32>], vector<16xf32>,
    %swap3A_435 = arith.constant 3 : i32
    %swap3A_436 = arith.index_cast %swap3A_435 : i32 to index
    %swap3A_437 = arith.constant 48 : index
    %swap3A_438 = tpu.vector_load %arg8[%swap3A_436, %swap3A_437] {strides = array<i32>} : memref<8x64xf32, #tpu.memory_space<vmem>>, vector<16xf32>,
    tpu.vector_store %arg8[%swap3A_436, %swap3A_437], %gather3A_434 {strides = array<i32>} : memref<8x64xf32, #tpu.memory_space<vmem>>, vector<16xf32>,
    %broadcast_in_dim3A_439 = arith.constant 4 : i32
    %broadcast_in_dim3A_440 = vector.broadcast %broadcast_in_dim3A_439 : i32 to vector<16xi32>
    %lt3A_441 = arith.constant 0 : i32
    %lt3A_442 = vector.broadcast %lt3A_441 : i32 to vector<16xi32>
    %lt3A_443 = arith.cmpi slt, %broadcast_in_dim3A_440, %lt3A_442 : vector<16xi32>
    %add3A_444 = arith.constant 16 : i32
    %add3A_445 = vector.broadcast %add3A_444 : i32 to vector<16xi32>
    %add3A_446 = arith.addi %broadcast_in_dim3A_440, %add3A_445 : vector<16xi32>
    %select_n3A_447 = arith.select %lt3A_443, %add3A_446, %broadcast_in_dim3A_440 : vector<16xi1>, vector<16xi32>
    %broadcast_in_dim3A_448 = vector.shape_cast %select_n3A_447 : vector<16xi32> to vector<16x1xi32>
    %gather3A_449 = vector.shape_cast %broadcast_in_dim3A_448 : vector<16x1xi32> to vector<16xi32>
    %gather3A_450 = tpu.dynamic_gather %and3A_17[%gather3A_449] in [0] : vector<16xi32>, vector<16xi32> -> vector<16xi32>
    %add3A_451 = arith.constant 0 : i32
    %add3A_452 = vector.broadcast %add3A_451 : i32 to vector<16xi32>
    %add3A_453 = arith.addi %add3A_452, %iota3A : vector<16xi32>
    %shift_right_arithmetic3A_454 = arith.constant 3 : i32
    %shift_right_arithmetic3A_455 = vector.broadcast %shift_right_arithmetic3A_454 : i32 to vector<16xi32>
    %shift_right_arithmetic3A_456 = arith.shrsi %add3A_453, %shift_right_arithmetic3A_455 : vector<16xi32>
    %add3A_457 = arith.constant 32 : i32
    %add3A_458 = vector.broadcast %add3A_457 : i32 to vector<16xi32>
    %add3A_459 = arith.addi %add3A_458, %shift_right_arithmetic3A_456 : vector<16xi32>
    %and3A_460 = arith.constant 7 : i32
    %and3A_461 = vector.broadcast %and3A_460 : i32 to vector<16xi32>
    %and3A_462 = arith.andi %add3A_453, %and3A_461 : vector<16xi32>
    %gather3A_463 = tpu.vector_load_idx %arg7[%add3A_459, %and3A_462, %gather3A_450] : memref<64x8x128xf32, #tpu.memory_space<vmem>>[vector<16xi32>, vector<16xi32>, vector<16xi32>], vector<16xf32>,
    %swap3A_464 = arith.constant 4 : i32
    %swap3A_465 = arith.index_cast %swap3A_464 : i32 to index
    %swap3A_466 = arith.constant 0 : index
    %swap3A_467 = tpu.vector_load %arg8[%swap3A_465, %swap3A_466] {strides = array<i32>} : memref<8x64xf32, #tpu.memory_space<vmem>>, vector<16xf32>,
    tpu.vector_store %arg8[%swap3A_465, %swap3A_466], %gather3A_463 {strides = array<i32>} : memref<8x64xf32, #tpu.memory_space<vmem>>, vector<16xf32>,
    %add3A_468 = arith.constant 16 : i32
    %add3A_469 = vector.broadcast %add3A_468 : i32 to vector<16xi32>
    %add3A_470 = arith.addi %add3A_469, %iota3A : vector<16xi32>
    %shift_right_arithmetic3A_471 = arith.constant 3 : i32
    %shift_right_arithmetic3A_472 = vector.broadcast %shift_right_arithmetic3A_471 : i32 to vector<16xi32>
    %shift_right_arithmetic3A_473 = arith.shrsi %add3A_470, %shift_right_arithmetic3A_472 : vector<16xi32>
    %add3A_474 = arith.constant 32 : i32
    %add3A_475 = vector.broadcast %add3A_474 : i32 to vector<16xi32>
    %add3A_476 = arith.addi %add3A_475, %shift_right_arithmetic3A_473 : vector<16xi32>
    %and3A_477 = arith.constant 7 : i32
    %and3A_478 = vector.broadcast %and3A_477 : i32 to vector<16xi32>
    %and3A_479 = arith.andi %add3A_470, %and3A_478 : vector<16xi32>
    %gather3A_480 = tpu.vector_load_idx %arg7[%add3A_476, %and3A_479, %gather3A_450] : memref<64x8x128xf32, #tpu.memory_space<vmem>>[vector<16xi32>, vector<16xi32>, vector<16xi32>], vector<16xf32>,
    %swap3A_481 = arith.constant 4 : i32
    %swap3A_482 = arith.index_cast %swap3A_481 : i32 to index
    %swap3A_483 = arith.constant 16 : index
    %swap3A_484 = tpu.vector_load %arg8[%swap3A_482, %swap3A_483] {strides = array<i32>} : memref<8x64xf32, #tpu.memory_space<vmem>>, vector<16xf32>,
    tpu.vector_store %arg8[%swap3A_482, %swap3A_483], %gather3A_480 {strides = array<i32>} : memref<8x64xf32, #tpu.memory_space<vmem>>, vector<16xf32>,
    %add3A_485 = arith.constant 32 : i32
    %add3A_486 = vector.broadcast %add3A_485 : i32 to vector<16xi32>
    %add3A_487 = arith.addi %add3A_486, %iota3A : vector<16xi32>
    %shift_right_arithmetic3A_488 = arith.constant 3 : i32
    %shift_right_arithmetic3A_489 = vector.broadcast %shift_right_arithmetic3A_488 : i32 to vector<16xi32>
    %shift_right_arithmetic3A_490 = arith.shrsi %add3A_487, %shift_right_arithmetic3A_489 : vector<16xi32>
    %add3A_491 = arith.constant 32 : i32
    %add3A_492 = vector.broadcast %add3A_491 : i32 to vector<16xi32>
    %add3A_493 = arith.addi %add3A_492, %shift_right_arithmetic3A_490 : vector<16xi32>
    %and3A_494 = arith.constant 7 : i32
    %and3A_495 = vector.broadcast %and3A_494 : i32 to vector<16xi32>
    %and3A_496 = arith.andi %add3A_487, %and3A_495 : vector<16xi32>
    %gather3A_497 = tpu.vector_load_idx %arg7[%add3A_493, %and3A_496, %gather3A_450] : memref<64x8x128xf32, #tpu.memory_space<vmem>>[vector<16xi32>, vector<16xi32>, vector<16xi32>], vector<16xf32>,
    %swap3A_498 = arith.constant 4 : i32
    %swap3A_499 = arith.index_cast %swap3A_498 : i32 to index
    %swap3A_500 = arith.constant 32 : index
    %swap3A_501 = tpu.vector_load %arg8[%swap3A_499, %swap3A_500] {strides = array<i32>} : memref<8x64xf32, #tpu.memory_space<vmem>>, vector<16xf32>,
    tpu.vector_store %arg8[%swap3A_499, %swap3A_500], %gather3A_497 {strides = array<i32>} : memref<8x64xf32, #tpu.memory_space<vmem>>, vector<16xf32>,
    %add3A_502 = arith.constant 48 : i32
    %add3A_503 = vector.broadcast %add3A_502 : i32 to vector<16xi32>
    %add3A_504 = arith.addi %add3A_503, %iota3A : vector<16xi32>
    %shift_right_arithmetic3A_505 = arith.constant 3 : i32
    %shift_right_arithmetic3A_506 = vector.broadcast %shift_right_arithmetic3A_505 : i32 to vector<16xi32>
    %shift_right_arithmetic3A_507 = arith.shrsi %add3A_504, %shift_right_arithmetic3A_506 : vector<16xi32>
    %add3A_508 = arith.constant 32 : i32
    %add3A_509 = vector.broadcast %add3A_508 : i32 to vector<16xi32>
    %add3A_510 = arith.addi %add3A_509, %shift_right_arithmetic3A_507 : vector<16xi32>
    %and3A_511 = arith.constant 7 : i32
    %and3A_512 = vector.broadcast %and3A_511 : i32 to vector<16xi32>
    %and3A_513 = arith.andi %add3A_504, %and3A_512 : vector<16xi32>
    %gather3A_514 = tpu.vector_load_idx %arg7[%add3A_510, %and3A_513, %gather3A_450] : memref<64x8x128xf32, #tpu.memory_space<vmem>>[vector<16xi32>, vector<16xi32>, vector<16xi32>], vector<16xf32>,
    %swap3A_515 = arith.constant 4 : i32
    %swap3A_516 = arith.index_cast %swap3A_515 : i32 to index
    %swap3A_517 = arith.constant 48 : index
    %swap3A_518 = tpu.vector_load %arg8[%swap3A_516, %swap3A_517] {strides = array<i32>} : memref<8x64xf32, #tpu.memory_space<vmem>>, vector<16xf32>,
    tpu.vector_store %arg8[%swap3A_516, %swap3A_517], %gather3A_514 {strides = array<i32>} : memref<8x64xf32, #tpu.memory_space<vmem>>, vector<16xf32>,
    %broadcast_in_dim3A_519 = arith.constant 5 : i32
    %broadcast_in_dim3A_520 = vector.broadcast %broadcast_in_dim3A_519 : i32 to vector<16xi32>
    %lt3A_521 = arith.constant 0 : i32
    %lt3A_522 = vector.broadcast %lt3A_521 : i32 to vector<16xi32>
    %lt3A_523 = arith.cmpi slt, %broadcast_in_dim3A_520, %lt3A_522 : vector<16xi32>
    %add3A_524 = arith.constant 16 : i32
    %add3A_525 = vector.broadcast %add3A_524 : i32 to vector<16xi32>
    %add3A_526 = arith.addi %broadcast_in_dim3A_520, %add3A_525 : vector<16xi32>
    %select_n3A_527 = arith.select %lt3A_523, %add3A_526, %broadcast_in_dim3A_520 : vector<16xi1>, vector<16xi32>
    %broadcast_in_dim3A_528 = vector.shape_cast %select_n3A_527 : vector<16xi32> to vector<16x1xi32>
    %gather3A_529 = vector.shape_cast %broadcast_in_dim3A_528 : vector<16x1xi32> to vector<16xi32>
    %gather3A_530 = tpu.dynamic_gather %and3A_17[%gather3A_529] in [0] : vector<16xi32>, vector<16xi32> -> vector<16xi32>
    %add3A_531 = arith.constant 0 : i32
    %add3A_532 = vector.broadcast %add3A_531 : i32 to vector<16xi32>
    %add3A_533 = arith.addi %add3A_532, %iota3A : vector<16xi32>
    %shift_right_arithmetic3A_534 = arith.constant 3 : i32
    %shift_right_arithmetic3A_535 = vector.broadcast %shift_right_arithmetic3A_534 : i32 to vector<16xi32>
    %shift_right_arithmetic3A_536 = arith.shrsi %add3A_533, %shift_right_arithmetic3A_535 : vector<16xi32>
    %add3A_537 = arith.constant 40 : i32
    %add3A_538 = vector.broadcast %add3A_537 : i32 to vector<16xi32>
    %add3A_539 = arith.addi %add3A_538, %shift_right_arithmetic3A_536 : vector<16xi32>
    %and3A_540 = arith.constant 7 : i32
    %and3A_541 = vector.broadcast %and3A_540 : i32 to vector<16xi32>
    %and3A_542 = arith.andi %add3A_533, %and3A_541 : vector<16xi32>
    %gather3A_543 = tpu.vector_load_idx %arg7[%add3A_539, %and3A_542, %gather3A_530] : memref<64x8x128xf32, #tpu.memory_space<vmem>>[vector<16xi32>, vector<16xi32>, vector<16xi32>], vector<16xf32>,
    %swap3A_544 = arith.constant 5 : i32
    %swap3A_545 = arith.index_cast %swap3A_544 : i32 to index
    %swap3A_546 = arith.constant 0 : index
    %swap3A_547 = tpu.vector_load %arg8[%swap3A_545, %swap3A_546] {strides = array<i32>} : memref<8x64xf32, #tpu.memory_space<vmem>>, vector<16xf32>,
    tpu.vector_store %arg8[%swap3A_545, %swap3A_546], %gather3A_543 {strides = array<i32>} : memref<8x64xf32, #tpu.memory_space<vmem>>, vector<16xf32>,
    %add3A_548 = arith.constant 16 : i32
    %add3A_549 = vector.broadcast %add3A_548 : i32 to vector<16xi32>
    %add3A_550 = arith.addi %add3A_549, %iota3A : vector<16xi32>
    %shift_right_arithmetic3A_551 = arith.constant 3 : i32
    %shift_right_arithmetic3A_552 = vector.broadcast %shift_right_arithmetic3A_551 : i32 to vector<16xi32>
    %shift_right_arithmetic3A_553 = arith.shrsi %add3A_550, %shift_right_arithmetic3A_552 : vector<16xi32>
    %add3A_554 = arith.constant 40 : i32
    %add3A_555 = vector.broadcast %add3A_554 : i32 to vector<16xi32>
    %add3A_556 = arith.addi %add3A_555, %shift_right_arithmetic3A_553 : vector<16xi32>
    %and3A_557 = arith.constant 7 : i32
    %and3A_558 = vector.broadcast %and3A_557 : i32 to vector<16xi32>
    %and3A_559 = arith.andi %add3A_550, %and3A_558 : vector<16xi32>
    %gather3A_560 = tpu.vector_load_idx %arg7[%add3A_556, %and3A_559, %gather3A_530] : memref<64x8x128xf32, #tpu.memory_space<vmem>>[vector<16xi32>, vector<16xi32>, vector<16xi32>], vector<16xf32>,
    %swap3A_561 = arith.constant 5 : i32
    %swap3A_562 = arith.index_cast %swap3A_561 : i32 to index
    %swap3A_563 = arith.constant 16 : index
    %swap3A_564 = tpu.vector_load %arg8[%swap3A_562, %swap3A_563] {strides = array<i32>} : memref<8x64xf32, #tpu.memory_space<vmem>>, vector<16xf32>,
    tpu.vector_store %arg8[%swap3A_562, %swap3A_563], %gather3A_560 {strides = array<i32>} : memref<8x64xf32, #tpu.memory_space<vmem>>, vector<16xf32>,
    %add3A_565 = arith.constant 32 : i32
    %add3A_566 = vector.broadcast %add3A_565 : i32 to vector<16xi32>
    %add3A_567 = arith.addi %add3A_566, %iota3A : vector<16xi32>
    %shift_right_arithmetic3A_568 = arith.constant 3 : i32
    %shift_right_arithmetic3A_569 = vector.broadcast %shift_right_arithmetic3A_568 : i32 to vector<16xi32>
    %shift_right_arithmetic3A_570 = arith.shrsi %add3A_567, %shift_right_arithmetic3A_569 : vector<16xi32>
    %add3A_571 = arith.constant 40 : i32
    %add3A_572 = vector.broadcast %add3A_571 : i32 to vector<16xi32>
    %add3A_573 = arith.addi %add3A_572, %shift_right_arithmetic3A_570 : vector<16xi32>
    %and3A_574 = arith.constant 7 : i32
    %and3A_575 = vector.broadcast %and3A_574 : i32 to vector<16xi32>
    %and3A_576 = arith.andi %add3A_567, %and3A_575 : vector<16xi32>
    %gather3A_577 = tpu.vector_load_idx %arg7[%add3A_573, %and3A_576, %gather3A_530] : memref<64x8x128xf32, #tpu.memory_space<vmem>>[vector<16xi32>, vector<16xi32>, vector<16xi32>], vector<16xf32>,
    %swap3A_578 = arith.constant 5 : i32
    %swap3A_579 = arith.index_cast %swap3A_578 : i32 to index
    %swap3A_580 = arith.constant 32 : index
    %swap3A_581 = tpu.vector_load %arg8[%swap3A_579, %swap3A_580] {strides = array<i32>} : memref<8x64xf32, #tpu.memory_space<vmem>>, vector<16xf32>,
    tpu.vector_store %arg8[%swap3A_579, %swap3A_580], %gather3A_577 {strides = array<i32>} : memref<8x64xf32, #tpu.memory_space<vmem>>, vector<16xf32>,
    %add3A_582 = arith.constant 48 : i32
    %add3A_583 = vector.broadcast %add3A_582 : i32 to vector<16xi32>
    %add3A_584 = arith.addi %add3A_583, %iota3A : vector<16xi32>
    %shift_right_arithmetic3A_585 = arith.constant 3 : i32
    %shift_right_arithmetic3A_586 = vector.broadcast %shift_right_arithmetic3A_585 : i32 to vector<16xi32>
    %shift_right_arithmetic3A_587 = arith.shrsi %add3A_584, %shift_right_arithmetic3A_586 : vector<16xi32>
    %add3A_588 = arith.constant 40 : i32
    %add3A_589 = vector.broadcast %add3A_588 : i32 to vector<16xi32>
    %add3A_590 = arith.addi %add3A_589, %shift_right_arithmetic3A_587 : vector<16xi32>
    %and3A_591 = arith.constant 7 : i32
    %and3A_592 = vector.broadcast %and3A_591 : i32 to vector<16xi32>
    %and3A_593 = arith.andi %add3A_584, %and3A_592 : vector<16xi32>
    %gather3A_594 = tpu.vector_load_idx %arg7[%add3A_590, %and3A_593, %gather3A_530] : memref<64x8x128xf32, #tpu.memory_space<vmem>>[vector<16xi32>, vector<16xi32>, vector<16xi32>], vector<16xf32>,
    %swap3A_595 = arith.constant 5 : i32
    %swap3A_596 = arith.index_cast %swap3A_595 : i32 to index
    %swap3A_597 = arith.constant 48 : index
    %swap3A_598 = tpu.vector_load %arg8[%swap3A_596, %swap3A_597] {strides = array<i32>} : memref<8x64xf32, #tpu.memory_space<vmem>>, vector<16xf32>,
    tpu.vector_store %arg8[%swap3A_596, %swap3A_597], %gather3A_594 {strides = array<i32>} : memref<8x64xf32, #tpu.memory_space<vmem>>, vector<16xf32>,
    %broadcast_in_dim3A_599 = arith.constant 6 : i32
    %broadcast_in_dim3A_600 = vector.broadcast %broadcast_in_dim3A_599 : i32 to vector<16xi32>
    %lt3A_601 = arith.constant 0 : i32
    %lt3A_602 = vector.broadcast %lt3A_601 : i32 to vector<16xi32>
    %lt3A_603 = arith.cmpi slt, %broadcast_in_dim3A_600, %lt3A_602 : vector<16xi32>
    %add3A_604 = arith.constant 16 : i32
    %add3A_605 = vector.broadcast %add3A_604 : i32 to vector<16xi32>
    %add3A_606 = arith.addi %broadcast_in_dim3A_600, %add3A_605 : vector<16xi32>
    %select_n3A_607 = arith.select %lt3A_603, %add3A_606, %broadcast_in_dim3A_600 : vector<16xi1>, vector<16xi32>
    %broadcast_in_dim3A_608 = vector.shape_cast %select_n3A_607 : vector<16xi32> to vector<16x1xi32>
    %gather3A_609 = vector.shape_cast %broadcast_in_dim3A_608 : vector<16x1xi32> to vector<16xi32>
    %gather3A_610 = tpu.dynamic_gather %and3A_17[%gather3A_609] in [0] : vector<16xi32>, vector<16xi32> -> vector<16xi32>
    %add3A_611 = arith.constant 0 : i32
    %add3A_612 = vector.broadcast %add3A_611 : i32 to vector<16xi32>
    %add3A_613 = arith.addi %add3A_612, %iota3A : vector<16xi32>
    %shift_right_arithmetic3A_614 = arith.constant 3 : i32
    %shift_right_arithmetic3A_615 = vector.broadcast %shift_right_arithmetic3A_614 : i32 to vector<16xi32>
    %shift_right_arithmetic3A_616 = arith.shrsi %add3A_613, %shift_right_arithmetic3A_615 : vector<16xi32>
    %add3A_617 = arith.constant 48 : i32
    %add3A_618 = vector.broadcast %add3A_617 : i32 to vector<16xi32>
    %add3A_619 = arith.addi %add3A_618, %shift_right_arithmetic3A_616 : vector<16xi32>
    %and3A_620 = arith.constant 7 : i32
    %and3A_621 = vector.broadcast %and3A_620 : i32 to vector<16xi32>
    %and3A_622 = arith.andi %add3A_613, %and3A_621 : vector<16xi32>
    %gather3A_623 = tpu.vector_load_idx %arg7[%add3A_619, %and3A_622, %gather3A_610] : memref<64x8x128xf32, #tpu.memory_space<vmem>>[vector<16xi32>, vector<16xi32>, vector<16xi32>], vector<16xf32>,
    %swap3A_624 = arith.constant 6 : i32
    %swap3A_625 = arith.index_cast %swap3A_624 : i32 to index
    %swap3A_626 = arith.constant 0 : index
    %swap3A_627 = tpu.vector_load %arg8[%swap3A_625, %swap3A_626] {strides = array<i32>} : memref<8x64xf32, #tpu.memory_space<vmem>>, vector<16xf32>,
    tpu.vector_store %arg8[%swap3A_625, %swap3A_626], %gather3A_623 {strides = array<i32>} : memref<8x64xf32, #tpu.memory_space<vmem>>, vector<16xf32>,
    %add3A_628 = arith.constant 16 : i32
    %add3A_629 = vector.broadcast %add3A_628 : i32 to vector<16xi32>
    %add3A_630 = arith.addi %add3A_629, %iota3A : vector<16xi32>
    %shift_right_arithmetic3A_631 = arith.constant 3 : i32
    %shift_right_arithmetic3A_632 = vector.broadcast %shift_right_arithmetic3A_631 : i32 to vector<16xi32>
    %shift_right_arithmetic3A_633 = arith.shrsi %add3A_630, %shift_right_arithmetic3A_632 : vector<16xi32>
    %add3A_634 = arith.constant 48 : i32
    %add3A_635 = vector.broadcast %add3A_634 : i32 to vector<16xi32>
    %add3A_636 = arith.addi %add3A_635, %shift_right_arithmetic3A_633 : vector<16xi32>
    %and3A_637 = arith.constant 7 : i32
    %and3A_638 = vector.broadcast %and3A_637 : i32 to vector<16xi32>
    %and3A_639 = arith.andi %add3A_630, %and3A_638 : vector<16xi32>
    %gather3A_640 = tpu.vector_load_idx %arg7[%add3A_636, %and3A_639, %gather3A_610] : memref<64x8x128xf32, #tpu.memory_space<vmem>>[vector<16xi32>, vector<16xi32>, vector<16xi32>], vector<16xf32>,
    %swap3A_641 = arith.constant 6 : i32
    %swap3A_642 = arith.index_cast %swap3A_641 : i32 to index
    %swap3A_643 = arith.constant 16 : index
    %swap3A_644 = tpu.vector_load %arg8[%swap3A_642, %swap3A_643] {strides = array<i32>} : memref<8x64xf32, #tpu.memory_space<vmem>>, vector<16xf32>,
    tpu.vector_store %arg8[%swap3A_642, %swap3A_643], %gather3A_640 {strides = array<i32>} : memref<8x64xf32, #tpu.memory_space<vmem>>, vector<16xf32>,
    %add3A_645 = arith.constant 32 : i32
    %add3A_646 = vector.broadcast %add3A_645 : i32 to vector<16xi32>
    %add3A_647 = arith.addi %add3A_646, %iota3A : vector<16xi32>
    %shift_right_arithmetic3A_648 = arith.constant 3 : i32
    %shift_right_arithmetic3A_649 = vector.broadcast %shift_right_arithmetic3A_648 : i32 to vector<16xi32>
    %shift_right_arithmetic3A_650 = arith.shrsi %add3A_647, %shift_right_arithmetic3A_649 : vector<16xi32>
    %add3A_651 = arith.constant 48 : i32
    %add3A_652 = vector.broadcast %add3A_651 : i32 to vector<16xi32>
    %add3A_653 = arith.addi %add3A_652, %shift_right_arithmetic3A_650 : vector<16xi32>
    %and3A_654 = arith.constant 7 : i32
    %and3A_655 = vector.broadcast %and3A_654 : i32 to vector<16xi32>
    %and3A_656 = arith.andi %add3A_647, %and3A_655 : vector<16xi32>
    %gather3A_657 = tpu.vector_load_idx %arg7[%add3A_653, %and3A_656, %gather3A_610] : memref<64x8x128xf32, #tpu.memory_space<vmem>>[vector<16xi32>, vector<16xi32>, vector<16xi32>], vector<16xf32>,
    %swap3A_658 = arith.constant 6 : i32
    %swap3A_659 = arith.index_cast %swap3A_658 : i32 to index
    %swap3A_660 = arith.constant 32 : index
    %swap3A_661 = tpu.vector_load %arg8[%swap3A_659, %swap3A_660] {strides = array<i32>} : memref<8x64xf32, #tpu.memory_space<vmem>>, vector<16xf32>,
    tpu.vector_store %arg8[%swap3A_659, %swap3A_660], %gather3A_657 {strides = array<i32>} : memref<8x64xf32, #tpu.memory_space<vmem>>, vector<16xf32>,
    %add3A_662 = arith.constant 48 : i32
    %add3A_663 = vector.broadcast %add3A_662 : i32 to vector<16xi32>
    %add3A_664 = arith.addi %add3A_663, %iota3A : vector<16xi32>
    %shift_right_arithmetic3A_665 = arith.constant 3 : i32
    %shift_right_arithmetic3A_666 = vector.broadcast %shift_right_arithmetic3A_665 : i32 to vector<16xi32>
    %shift_right_arithmetic3A_667 = arith.shrsi %add3A_664, %shift_right_arithmetic3A_666 : vector<16xi32>
    %add3A_668 = arith.constant 48 : i32
    %add3A_669 = vector.broadcast %add3A_668 : i32 to vector<16xi32>
    %add3A_670 = arith.addi %add3A_669, %shift_right_arithmetic3A_667 : vector<16xi32>
    %and3A_671 = arith.constant 7 : i32
    %and3A_672 = vector.broadcast %and3A_671 : i32 to vector<16xi32>
    %and3A_673 = arith.andi %add3A_664, %and3A_672 : vector<16xi32>
    %gather3A_674 = tpu.vector_load_idx %arg7[%add3A_670, %and3A_673, %gather3A_610] : memref<64x8x128xf32, #tpu.memory_space<vmem>>[vector<16xi32>, vector<16xi32>, vector<16xi32>], vector<16xf32>,
    %swap3A_675 = arith.constant 6 : i32
    %swap3A_676 = arith.index_cast %swap3A_675 : i32 to index
    %swap3A_677 = arith.constant 48 : index
    %swap3A_678 = tpu.vector_load %arg8[%swap3A_676, %swap3A_677] {strides = array<i32>} : memref<8x64xf32, #tpu.memory_space<vmem>>, vector<16xf32>,
    tpu.vector_store %arg8[%swap3A_676, %swap3A_677], %gather3A_674 {strides = array<i32>} : memref<8x64xf32, #tpu.memory_space<vmem>>, vector<16xf32>,
    %broadcast_in_dim3A_679 = arith.constant 7 : i32
    %broadcast_in_dim3A_680 = vector.broadcast %broadcast_in_dim3A_679 : i32 to vector<16xi32>
    %lt3A_681 = arith.constant 0 : i32
    %lt3A_682 = vector.broadcast %lt3A_681 : i32 to vector<16xi32>
    %lt3A_683 = arith.cmpi slt, %broadcast_in_dim3A_680, %lt3A_682 : vector<16xi32>
    %add3A_684 = arith.constant 16 : i32
    %add3A_685 = vector.broadcast %add3A_684 : i32 to vector<16xi32>
    %add3A_686 = arith.addi %broadcast_in_dim3A_680, %add3A_685 : vector<16xi32>
    %select_n3A_687 = arith.select %lt3A_683, %add3A_686, %broadcast_in_dim3A_680 : vector<16xi1>, vector<16xi32>
    %broadcast_in_dim3A_688 = vector.shape_cast %select_n3A_687 : vector<16xi32> to vector<16x1xi32>
    %gather3A_689 = vector.shape_cast %broadcast_in_dim3A_688 : vector<16x1xi32> to vector<16xi32>
    %gather3A_690 = tpu.dynamic_gather %and3A_17[%gather3A_689] in [0] : vector<16xi32>, vector<16xi32> -> vector<16xi32>
    %add3A_691 = arith.constant 0 : i32
    %add3A_692 = vector.broadcast %add3A_691 : i32 to vector<16xi32>
    %add3A_693 = arith.addi %add3A_692, %iota3A : vector<16xi32>
    %shift_right_arithmetic3A_694 = arith.constant 3 : i32
    %shift_right_arithmetic3A_695 = vector.broadcast %shift_right_arithmetic3A_694 : i32 to vector<16xi32>
    %shift_right_arithmetic3A_696 = arith.shrsi %add3A_693, %shift_right_arithmetic3A_695 : vector<16xi32>
    %add3A_697 = arith.constant 56 : i32
    %add3A_698 = vector.broadcast %add3A_697 : i32 to vector<16xi32>
    %add3A_699 = arith.addi %add3A_698, %shift_right_arithmetic3A_696 : vector<16xi32>
    %and3A_700 = arith.constant 7 : i32
    %and3A_701 = vector.broadcast %and3A_700 : i32 to vector<16xi32>
    %and3A_702 = arith.andi %add3A_693, %and3A_701 : vector<16xi32>
    %gather3A_703 = tpu.vector_load_idx %arg7[%add3A_699, %and3A_702, %gather3A_690] : memref<64x8x128xf32, #tpu.memory_space<vmem>>[vector<16xi32>, vector<16xi32>, vector<16xi32>], vector<16xf32>,
    %swap3A_704 = arith.constant 7 : i32
    %swap3A_705 = arith.index_cast %swap3A_704 : i32 to index
    %swap3A_706 = arith.constant 0 : index
    %swap3A_707 = tpu.vector_load %arg8[%swap3A_705, %swap3A_706] {strides = array<i32>} : memref<8x64xf32, #tpu.memory_space<vmem>>, vector<16xf32>,
    tpu.vector_store %arg8[%swap3A_705, %swap3A_706], %gather3A_703 {strides = array<i32>} : memref<8x64xf32, #tpu.memory_space<vmem>>, vector<16xf32>,
    %add3A_708 = arith.constant 16 : i32
    %add3A_709 = vector.broadcast %add3A_708 : i32 to vector<16xi32>
    %add3A_710 = arith.addi %add3A_709, %iota3A : vector<16xi32>
    %shift_right_arithmetic3A_711 = arith.constant 3 : i32
    %shift_right_arithmetic3A_712 = vector.broadcast %shift_right_arithmetic3A_711 : i32 to vector<16xi32>
    %shift_right_arithmetic3A_713 = arith.shrsi %add3A_710, %shift_right_arithmetic3A_712 : vector<16xi32>
    %add3A_714 = arith.constant 56 : i32
    %add3A_715 = vector.broadcast %add3A_714 : i32 to vector<16xi32>
    %add3A_716 = arith.addi %add3A_715, %shift_right_arithmetic3A_713 : vector<16xi32>
    %and3A_717 = arith.constant 7 : i32
    %and3A_718 = vector.broadcast %and3A_717 : i32 to vector<16xi32>
    %and3A_719 = arith.andi %add3A_710, %and3A_718 : vector<16xi32>
    %gather3A_720 = tpu.vector_load_idx %arg7[%add3A_716, %and3A_719, %gather3A_690] : memref<64x8x128xf32, #tpu.memory_space<vmem>>[vector<16xi32>, vector<16xi32>, vector<16xi32>], vector<16xf32>,
    %swap3A_721 = arith.constant 7 : i32
    %swap3A_722 = arith.index_cast %swap3A_721 : i32 to index
    %swap3A_723 = arith.constant 16 : index
    %swap3A_724 = tpu.vector_load %arg8[%swap3A_722, %swap3A_723] {strides = array<i32>} : memref<8x64xf32, #tpu.memory_space<vmem>>, vector<16xf32>,
    tpu.vector_store %arg8[%swap3A_722, %swap3A_723], %gather3A_720 {strides = array<i32>} : memref<8x64xf32, #tpu.memory_space<vmem>>, vector<16xf32>,
    %add3A_725 = arith.constant 32 : i32
    %add3A_726 = vector.broadcast %add3A_725 : i32 to vector<16xi32>
    %add3A_727 = arith.addi %add3A_726, %iota3A : vector<16xi32>
    %shift_right_arithmetic3A_728 = arith.constant 3 : i32
    %shift_right_arithmetic3A_729 = vector.broadcast %shift_right_arithmetic3A_728 : i32 to vector<16xi32>
    %shift_right_arithmetic3A_730 = arith.shrsi %add3A_727, %shift_right_arithmetic3A_729 : vector<16xi32>
    %add3A_731 = arith.constant 56 : i32
    %add3A_732 = vector.broadcast %add3A_731 : i32 to vector<16xi32>
    %add3A_733 = arith.addi %add3A_732, %shift_right_arithmetic3A_730 : vector<16xi32>
    %and3A_734 = arith.constant 7 : i32
    %and3A_735 = vector.broadcast %and3A_734 : i32 to vector<16xi32>
    %and3A_736 = arith.andi %add3A_727, %and3A_735 : vector<16xi32>
    %gather3A_737 = tpu.vector_load_idx %arg7[%add3A_733, %and3A_736, %gather3A_690] : memref<64x8x128xf32, #tpu.memory_space<vmem>>[vector<16xi32>, vector<16xi32>, vector<16xi32>], vector<16xf32>,
    %swap3A_738 = arith.constant 7 : i32
    %swap3A_739 = arith.index_cast %swap3A_738 : i32 to index
    %swap3A_740 = arith.constant 32 : index
    %swap3A_741 = tpu.vector_load %arg8[%swap3A_739, %swap3A_740] {strides = array<i32>} : memref<8x64xf32, #tpu.memory_space<vmem>>, vector<16xf32>,
    tpu.vector_store %arg8[%swap3A_739, %swap3A_740], %gather3A_737 {strides = array<i32>} : memref<8x64xf32, #tpu.memory_space<vmem>>, vector<16xf32>,
    %add3A_742 = arith.constant 48 : i32
    %add3A_743 = vector.broadcast %add3A_742 : i32 to vector<16xi32>
    %add3A_744 = arith.addi %add3A_743, %iota3A : vector<16xi32>
    %shift_right_arithmetic3A_745 = arith.constant 3 : i32
    %shift_right_arithmetic3A_746 = vector.broadcast %shift_right_arithmetic3A_745 : i32 to vector<16xi32>
    %shift_right_arithmetic3A_747 = arith.shrsi %add3A_744, %shift_right_arithmetic3A_746 : vector<16xi32>
    %add3A_748 = arith.constant 56 : i32
    %add3A_749 = vector.broadcast %add3A_748 : i32 to vector<16xi32>
    %add3A_750 = arith.addi %add3A_749, %shift_right_arithmetic3A_747 : vector<16xi32>
    %and3A_751 = arith.constant 7 : i32
    %and3A_752 = vector.broadcast %and3A_751 : i32 to vector<16xi32>
    %and3A_753 = arith.andi %add3A_744, %and3A_752 : vector<16xi32>
    %gather3A_754 = tpu.vector_load_idx %arg7[%add3A_750, %and3A_753, %gather3A_690] : memref<64x8x128xf32, #tpu.memory_space<vmem>>[vector<16xi32>, vector<16xi32>, vector<16xi32>], vector<16xf32>,
    %swap3A_755 = arith.constant 7 : i32
    %swap3A_756 = arith.index_cast %swap3A_755 : i32 to index
    %swap3A_757 = arith.constant 48 : index
    %swap3A_758 = tpu.vector_load %arg8[%swap3A_756, %swap3A_757] {strides = array<i32>} : memref<8x64xf32, #tpu.memory_space<vmem>>, vector<16xf32>,
    tpu.vector_store %arg8[%swap3A_756, %swap3A_757], %gather3A_754 {strides = array<i32>} : memref<8x64xf32, #tpu.memory_space<vmem>>, vector<16xf32>,
    "tpu.region"() ({
      %run_scoped3A = tpu.sem_alloc : memref<!tpu.dma_semaphore, #tpu.memory_space<semaphore_mem>>
      %dma_start3A_759 = arith.constant 0 : i32
      %dma_start3A_760 = tpu.memref_slice %arg4[%mul3A_2, %dma_start3A_759] : memref<256x64xf32, #tpu.memory_space<hbm>> -> memref<8x64xf32, #tpu.memory_space<hbm>>
      %dma_start3A_761 = arith.constant 0 : i32
      %dma_start3A_762 = tpu.memref_slice %arg4[%mul3A_2, %dma_start3A_761] : memref<256x64xf32, #tpu.memory_space<hbm>> -> memref<8x64xf32, #tpu.memory_space<hbm>>
      tpu.enqueue_dma source(%arg8 : memref<8x64xf32, #tpu.memory_space<vmem>>) target(%dma_start3A_762 : memref<8x64xf32, #tpu.memory_space<hbm>>) target_semaphore(%run_scoped3A : memref<!tpu.dma_semaphore, #tpu.memory_space<semaphore_mem>>)
      %dma_wait3A_763 = arith.constant 0 : i32
      %dma_wait3A_764 = tpu.memref_slice %arg4[%mul3A_2, %dma_wait3A_763] : memref<256x64xf32, #tpu.memory_space<hbm>> -> memref<8x64xf32, #tpu.memory_space<hbm>>
      %dma_wait3A_765 = arith.constant 0 : i32
      %dma_wait3A_766 = tpu.memref_slice %arg4[%mul3A_2, %dma_wait3A_765] : memref<256x64xf32, #tpu.memory_space<hbm>> -> memref<8x64xf32, #tpu.memory_space<hbm>>
      tpu.wait_dma2 semaphore(%run_scoped3A : memref<!tpu.dma_semaphore, #tpu.memory_space<semaphore_mem>>) src(%arg8 : memref<8x64xf32, #tpu.memory_space<vmem>>) dst(%dma_wait3A_766 : memref<8x64xf32, #tpu.memory_space<hbm>>)
      tpu.yield
    }) : () -> ()
    return
  }
}

module attributes {stable_mosaic.version = 14 : i64} {
  func.func @_dense_body(%arg0: memref<128x2048xf32, #tpu.memory_space<vmem>>, %arg1: memref<128x2048xf32, #tpu.memory_space<vmem>>, %arg2: memref<128x2048xf32, #tpu.memory_space<vmem>>, %arg3: memref<128x2048xf32, #tpu.memory_space<vmem>>, %arg4: memref<128x1xf32, #tpu.memory_space<vmem>>, %arg5: memref<272x1xi32, #tpu.memory_space<vmem>>) attributes {dimension_semantics = [], scalar_prefetch = 0 : i64, scratch_operands = 0 : i64, tpu.core_type = #tpu.core_type<tc>} {
    %get3A = arith.constant 0 : index
    %get3A_0 = arith.constant 0 : index
    %get3A_1 = vector.load %arg0[%get3A, %get3A_0] : memref<128x2048xf32, #tpu.memory_space<vmem>>, vector<128x2048xf32>
    %mul3A = arith.constant 5.000000e-01 : f32
    %mul3A_2 = vector.broadcast %mul3A : f32 to vector<128x2048xf32>
    %mul3A_3 = arith.mulf %mul3A_2, %get3A_1 : vector<128x2048xf32>
    %get3A_4 = arith.constant 0 : index
    %get3A_5 = arith.constant 0 : index
    %get3A_6 = vector.load %arg1[%get3A_4, %get3A_5] : memref<128x2048xf32, #tpu.memory_space<vmem>>, vector<128x2048xf32>
    %mul3A_7 = arith.constant 5.000000e-01 : f32
    %mul3A_8 = vector.broadcast %mul3A_7 : f32 to vector<128x2048xf32>
    %mul3A_9 = arith.mulf %mul3A_8, %get3A_6 : vector<128x2048xf32>
    %add3A = arith.addf %mul3A_3, %mul3A_9 : vector<128x2048xf32>
    %reduce_max3A = arith.constant dense<0xFF800000> : vector<128xf32>
    %reduce_max3A_10 = vector.multi_reduction <maximumf>, %add3A, %reduce_max3A [1] : vector<128x2048xf32> to vector<128xf32>
    %broadcast_in_dim3A = vector.shape_cast %reduce_max3A_10 : vector<128xf32> to vector<128x1xf32>
    %sub3A = vector.broadcast %broadcast_in_dim3A : vector<128x1xf32> to vector<128x2048xf32>
    %sub3A_11 = arith.subf %add3A, %sub3A : vector<128x2048xf32>
    %exp3A = math.exp %sub3A_11 : vector<128x2048xf32>
    %reduce_sum3A = arith.constant dense<0.000000e+00> : vector<128xf32>
    %reduce_sum3A_12 = vector.multi_reduction <add>, %exp3A, %reduce_sum3A [1] : vector<128x2048xf32> to vector<128xf32>
    %broadcast_in_dim3A_13 = vector.shape_cast %reduce_sum3A_12 : vector<128xf32> to vector<128x1xf32>
    %log3A = math.log %broadcast_in_dim3A_13 : vector<128x1xf32>
    %sub3A_14 = vector.broadcast %log3A : vector<128x1xf32> to vector<128x2048xf32>
    %sub3A_15 = arith.subf %sub3A_11, %sub3A_14 : vector<128x2048xf32>
    %swap3A = arith.constant 0 : index
    %swap3A_16 = arith.constant 0 : index
    %swap3A_17 = vector.load %arg3[%swap3A, %swap3A_16] : memref<128x2048xf32, #tpu.memory_space<vmem>>, vector<128x2048xf32>
    tpu.vector_store %arg3[%swap3A, %swap3A_16], %sub3A_15 {strides = array<i32>} : memref<128x2048xf32, #tpu.memory_space<vmem>>, vector<128x2048xf32>,
    %swap3A_18 = arith.constant 0 : index
    %swap3A_19 = arith.constant 0 : index
    %swap3A_20 = vector.load %arg4[%swap3A_18, %swap3A_19] : memref<128x1xf32, #tpu.memory_space<vmem>>, vector<128x1xf32>
    tpu.vector_store %arg4[%swap3A_18, %swap3A_19], %broadcast_in_dim3A {strides = array<i32>} : memref<128x1xf32, #tpu.memory_space<vmem>>, vector<128x1xf32>,
    %iota3A = tpu.iota {dimensions = array<i32: 1>} : vector<128x2048xi32>
    %iota3A_21 = tpu.iota {dimensions = array<i32: 0>} : vector<128x1xi32>
    %mul3A_22 = arith.constant 2048 : i32
    %mul3A_23 = vector.broadcast %mul3A_22 : i32 to vector<128x1xi32>
    %mul3A_24 = arith.muli %iota3A_21, %mul3A_23 : vector<128x1xi32>
    %eq3A = vector.broadcast %broadcast_in_dim3A : vector<128x1xf32> to vector<128x2048xf32>
    %eq3A_25 = arith.cmpf oeq, %add3A, %eq3A : vector<128x2048xf32>
    %jit3A = arith.constant 2048 : i32
    %broadcast_in_dim3A_26 = vector.broadcast %jit3A : i32 to vector<128x2048xi32>
    %select_n3A = arith.select %eq3A_25, %iota3A, %broadcast_in_dim3A_26 : vector<128x2048xi1>, vector<128x2048xi32>
    %reduce_min3A = arith.constant dense<2147483647> : vector<128xi32>
    %reduce_min3A_27 = vector.multi_reduction <minsi>, %select_n3A, %reduce_min3A [1] : vector<128x2048xi32> to vector<128xi32>
    %broadcast_in_dim3A_28 = vector.shape_cast %reduce_min3A_27 : vector<128xi32> to vector<128x1xi32>
    %add3A_29 = arith.addi %mul3A_24, %broadcast_in_dim3A_28 : vector<128x1xi32>
    %swap3A_30 = arith.constant 0 : index
    %swap3A_31 = arith.constant 0 : index
    %swap3A_32 = vector.load %arg5[%swap3A_30, %swap3A_31] : memref<272x1xi32, #tpu.memory_space<vmem>>, vector<128x1xi32>
    tpu.vector_store %arg5[%swap3A_30, %swap3A_31], %add3A_29 {strides = array<i32>} : memref<272x1xi32, #tpu.memory_space<vmem>>, vector<128x1xi32>,
    %get3A_33 = arith.constant 0 : index
    %get3A_34 = arith.constant 0 : index
    %get3A_35 = vector.load %arg2[%get3A_33, %get3A_34] : memref<128x2048xf32, #tpu.memory_space<vmem>>, vector<128x2048xf32>
    %add3A_36 = arith.addf %sub3A_11, %get3A_35 : vector<128x2048xf32>
    %reduce_max3A_37 = arith.constant dense<0xFF800000> : vector<128xf32>
    %reduce_max3A_38 = vector.multi_reduction <maximumf>, %add3A_36, %reduce_max3A_37 [1] : vector<128x2048xf32> to vector<128xf32>
    %broadcast_in_dim3A_39 = vector.shape_cast %reduce_max3A_38 : vector<128xf32> to vector<128x1xf32>
    %eq3A_40 = vector.broadcast %broadcast_in_dim3A_39 : vector<128x1xf32> to vector<128x2048xf32>
    %eq3A_41 = arith.cmpf oeq, %add3A_36, %eq3A_40 : vector<128x2048xf32>
    %jit3A_42 = arith.constant 2048 : i32
    %broadcast_in_dim3A_43 = vector.broadcast %jit3A_42 : i32 to vector<128x2048xi32>
    %select_n3A_44 = arith.select %eq3A_41, %iota3A, %broadcast_in_dim3A_43 : vector<128x2048xi1>, vector<128x2048xi32>
    %reduce_min3A_45 = arith.constant dense<2147483647> : vector<128xi32>
    %reduce_min3A_46 = vector.multi_reduction <minsi>, %select_n3A_44, %reduce_min3A_45 [1] : vector<128x2048xi32> to vector<128xi32>
    %broadcast_in_dim3A_47 = vector.shape_cast %reduce_min3A_46 : vector<128xi32> to vector<128x1xi32>
    %add3A_48 = arith.addi %mul3A_24, %broadcast_in_dim3A_47 : vector<128x1xi32>
    %swap3A_49 = arith.constant 128 : index
    %swap3A_50 = arith.constant 0 : index
    %swap3A_51 = vector.load %arg5[%swap3A_49, %swap3A_50] : memref<272x1xi32, #tpu.memory_space<vmem>>, vector<128x1xi32>
    tpu.vector_store %arg5[%swap3A_49, %swap3A_50], %add3A_48 {strides = array<i32>} : memref<272x1xi32, #tpu.memory_space<vmem>>, vector<128x1xi32>,
    %broadcast_in_dim3A_52 = arith.constant 0 : i32
    %broadcast_in_dim3A_53 = vector.broadcast %broadcast_in_dim3A_52 : i32 to vector<16x1xi32>
    %swap3A_54 = arith.constant 256 : index
    %swap3A_55 = arith.constant 0 : index
    %swap3A_56 = vector.load %arg5[%swap3A_54, %swap3A_55] : memref<272x1xi32, #tpu.memory_space<vmem>>, vector<16x1xi32>
    tpu.vector_store %arg5[%swap3A_54, %swap3A_55], %broadcast_in_dim3A_53 {strides = array<i32>} : memref<272x1xi32, #tpu.memory_space<vmem>>, vector<16x1xi32>,
    return
  }
}

</mosaic_0001>

<sc_bundles>
// kernel: kernel.4.cloned.1.call-start
scs
__scs_entry_jumppad:
0x0: {  	(pc) =	sbr.rel $0x88, $3  }
0x1: {  	(tag) =	ssettag $0x0;
	lr =	simm.s32 $0x1  }
0x2: {  	[smem:$0x3F9E] =	sst lr;
	_ =	strace $0xD0000000  }
0x3: {  	_ = 	snop  }
0x4: {  	_ = 	snop  }
0x5: {  	_ = 	snop  }
0x6: {  	_ = 	snop  }
0x7: {  	_ = 	snop  }
__scs_overlays_trampoline_lowered:
0x8: {  	[smem:$0x3FAD] =	sst s0  }
0x9: {  	[smem:$0x3FAE] =	sst s1  }
0xa: {  	[smem:$0x3FAF] =	sst s2  }
0xb: {  	[smem:$0x3FB0] =	sst s3  }
0xc: {  	[smem:$0x3FB1] =	sst s4  }
0xd: {  	[smem:$0x3FB2] =	sst s5  }
0xe: {  	[smem:$0x3FB3] =	sst s6  }
0xf: {  	[smem:$0x3FB4] =	sst s7  }
0x10: {  	[smem:$0x3FB5] =	sst s8  }
0x11: {  	[smem:$0x3FB6] =	sst s9;
	s0 =	simm.s32 @!p0 $0x0  }
0x12: {  	s1 =	sld [smem:$0x3F9C];
	s0 =	simm.s32 @p0 $0x1  }
0x13: {  	[smem:$0x3FB7] =	sst s0;
	s0 =	simm.s32 @!p1 $0x0  }
0x14: {  	s2 =	sld [smem:$0x3F9B];
	s0 =	simm.s32 @p1 $0x1  }
0x15: {  	[smem:$0x3FB8] =	sst s0;
	s0 =	simm.s32 @!p2 $0x0  }
0x16: {  	s3 =	sld [smem:$0x3FDB];
	s0 =	simm.s32 @p2 $0x1  }
0x17: {  	s4 =	simm.s32 $0x1BF5;
	[smem:$0x3FBA] =	sst s0  }
0x18: {  	s0 =	sld [smem:$0x3F9D];
	_ =	swait.ge [sflag:s4], $0x0  }
0x19: {  	s7 =	sld [smem:$0x3F9E]  }
0x1a: {  	s8 =	sadd.s32 $0xFFFFE003, lr  }
0x1b: {  	s9 =	sadd.s32 $0xFFFFFEF7, lr;
	s5 =	simm.s32 $0xFFFFFFFF;
	p2 =	slt.u32 s8, $0xFFFFF086  }
0x1c: {  	p1 =	slt.u32 s9, $0xF7A;
	s5 =	simm.s32 @!p2 $0x0  }
0x1d: {  	s5 =	simm.s32 @p1 $0x1;
	p0 =	seq.s32 s7, s2  }
0x1e: {  	s7 =	smul.u32 @!p0 $0xF7A, s2;
	p2 =	seq.s32 @!p0 s5, $0x0  }
0x1f: {  	s9 =	smul.u32 $0xF7A, s1;
	s8 =	simm.s32 @!p0 $0x1BF5;
	p2 =	por !p2, p0  }
0x20: {  	[sflag:s8] =	ssyncset.s32 @!p0 $0xFFFFF086;
	s6 =	sadd.s32 @!p0 s3, s7;
	s7 =	simm.s32 @!p0 $0x108  }
0x21: {  	s3 =	sadd.s32 s3, s9;
	s6 =	sadd.s32 @!p0 $0x88, s6;
	s7 =	simm.s32 @p2 $0x1082  }
0x22: {  	[simem:s7], [sflag:s8] =	dma.local @!p0 [hbm:s6], $0xF7A  }
0x23: {  	s9 =	sor.u32 $0xD0000000, s2;
	s6 =	simm.s32 $0x108;
	_ =	swait.ge @!p0 [sflag:s8], $0x0  }
0x24: {  	s3 =	sadd.s32 $0x88, s3;
	s6 =	simm.s32 @!p1 $0x1082;
	[sflag:s4] =	ssyncset.s32 $0xFFFFF086  }
0x25: {  	[simem:s6], [sflag:s4] =	dma.local [hbm:s3], $0xF7A  }
0x26: {  	[smem:$0x3F9E] =	sst s1;
	(tag) =	ssettag s2;
	_ =	strace s9  }
0x27: {  	s1 =	sld [smem:$0x3FAE]  }
0x28: {  	s2 =	sld [smem:$0x3FAF]  }
0x29: {  	s4 =	sld [smem:$0x3FB1]  }
0x2a: {  	p0 =	seq.s32 s5, $0x0;
	s5 =	sld [smem:$0x3FB2]  }
0x2b: {  	s6 =	sld [smem:$0x3FB3]  }
0x2c: {  	s7 =	sld [smem:$0x3FB4]  }
0x2d: {  	s3 =	simm.s32 $0x108;
	s8 =	sld [smem:$0x3FB5]  }
0x2e: {  	s3 =	simm.s32 @!p0 $0x1082;
	s9 =	sld [smem:$0x3FB6]  }
0x2f: {  	lr =	sadd.s32 s0, s3;
	s0 =	sld [smem:$0x3FAD]  }
0x30: {  	s3 =	sld [smem:$0x3FB0]  }
0x31: {  	[smem:$0x3FB9] =	sst s10  }
0x32: {  	s10 =	sld [smem:$0x3FB7];
	_ =	sdelay $0x3  }
0x33: {  	p0 =	seq.s32 s10, $0x1;
	s10 =	sld [smem:$0x3FB9];
	_ =	sdelay $0x3  }
0x34: {  	[smem:$0x3FB9] =	sst s10  }
0x35: {  	s10 =	sld [smem:$0x3FB8];
	_ =	sdelay $0x3  }
0x36: {  	p1 =	seq.s32 s10, $0x1;
	s10 =	sld [smem:$0x3FB9];
	_ =	sdelay $0x3  }
0x37: {  	[smem:$0x3FB9] =	sst s10  }
0x38: {  	s10 =	sld [smem:$0x3FBA]  }
0x39: {  	_ = 	snop;
	(pc) =	sbr.ind lr, $3  }
0x3a: {  	_ = 	snop  }
0x3b: {  	_ = 	snop  }
0x3c: {  	p2 =	seq.s32 s10, $0x1;
	s10 =	sld [smem:$0x3FB9]  }
0x3d: {  	_ =	shalt  }
0x3e: {  	_ =	shalt  }
0x3f: {  	_ =	shalt  }
0x40: {  	_ =	shalt  }
0x41: {  	_ =	shalt  }
0x42: {  	_ =	shalt  }
0x43: {  	_ =	shalt  }
0x44: {  	_ =	shalt  }
0x45: {  	_ =	shalt  }
0x46: {  	_ =	shalt  }
0x47: {  	_ =	shalt  }
0x48: {  	_ =	shalt  }
0x49: {  	_ =	shalt  }
0x4a: {  	_ =	shalt  }
0x4b: {  	_ =	shalt  }
0x4c: {  	_ =	shalt  }
0x4d: {  	_ =	shalt  }
0x4e: {  	_ =	shalt  }
0x4f: {  	_ =	shalt  }
0x50: {  	_ =	shalt  }
0x51: {  	_ =	shalt  }
0x52: {  	_ =	shalt  }
0x53: {  	_ =	shalt  }
0x54: {  	_ =	shalt  }
0x55: {  	_ =	shalt  }
0x56: {  	_ =	shalt  }
0x57: {  	_ =	shalt  }
0x58: {  	_ =	shalt  }
0x59: {  	_ =	shalt  }
0x5a: {  	_ =	shalt  }
0x5b: {  	_ =	shalt  }
0x5c: {  	_ =	shalt  }
0x5d: {  	_ =	shalt  }
0x5e: {  	_ =	shalt  }
0x5f: {  	_ =	shalt  }
0x60: {  	_ =	shalt  }
0x61: {  	_ =	shalt  }
0x62: {  	_ =	shalt  }
0x63: {  	_ =	shalt  }
0x64: {  	_ =	shalt  }
0x65: {  	_ =	shalt  }
0x66: {  	_ =	shalt  }
0x67: {  	_ =	shalt  }
0x68: {  	_ =	shalt  }
0x69: {  	_ =	shalt  }
0x6a: {  	_ =	shalt  }
0x6b: {  	_ =	shalt  }
0x6c: {  	_ =	shalt  }
0x6d: {  	_ =	shalt  }
0x6e: {  	_ =	shalt  }
0x6f: {  	_ =	shalt  }
0x70: {  	_ =	shalt  }
0x71: {  	_ =	shalt  }
0x72: {  	_ =	shalt  }
0x73: {  	_ =	shalt  }
0x74: {  	_ =	shalt  }
0x75: {  	_ =	shalt  }
0x76: {  	_ =	shalt  }
0x77: {  	_ =	shalt  }
0x78: {  	_ =	shalt  }
0x79: {  	_ =	shalt  }
0x7a: {  	_ =	shalt  }
0x7b: {  	_ =	shalt  }
0x7c: {  	_ =	shalt  }
0x7d: {  	_ =	shalt  }
0x7e: {  	_ =	shalt  }
0x7f: {  	_ =	shalt  }
0x80: {  	_ =	shalt  }
0x81: {  	_ =	shalt  }
0x82: {  	_ =	shalt  }
0x83: {  	_ =	shalt  }
0x84: {  	_ =	shalt  }
0x85: {  	_ =	shalt  }
0x86: {  	_ =	shalt  }
0x87: {  	_ =	shalt  }
.Lfunc_end0:
.L_simem_size_0:
called_computation_lowered:
.L_overlay_start_0:
0x88: {  	s2 =	sld [smem:$0x3FD9]  }
0x89: {  	s3 =	sld [smem:$0x3FFE];
	_ =	sdelay $0x1  }
0x8a: {  	s1 =	srdreg.scid  }
0x8b: {  	s0 =	sand.u32 $0x1, s1  }
0x8c: {  	s14 =	sshll.u32 s0, $0xA;
	s2 =	sadd.s32 s3, s2  }
0x8d: {  	s2 =	sadd.s32 s2, s14  }
0x8e: {  	[smem:$0x3FC5] =	sst s2  }
0x8f: {  	_ = 	snop  }
0x90: {  	s2 =	sld [smem:$0x3FD0];
	_ =	sdelay $0x2  }
0x91: {  	s4 =	simm.s32 $0xA;
	s5 =	simm.s32 $0x10;
	s15 =	sld [smem:$0x3FC7]  }
0x92: {  	[smem:s5], [sflag:s4] =	dma.local [hbm:s2], $0x1  }
0x93: {  	_ =	swait.eq [sflag:s4], $0x1  }
0x94: {  	[sflag:s4] =	ssyncset.done $0x0  }
0x95: {  	[sflag:s4] =	ssyncadd.s32 $0xFFFFFFFF  }
0x96: {  	s16 =	sld [smem:$0x13];
	(tm) =	ssettm $0x1  }
0x97: {  	s17 =	sld [smem:$0x3FFB];
	_ =	sdelay $0x3  }
0x98: {  	_ =	strace s17  }
0x99: {  	s4 =	sld [smem:$0x3FFC];
	_ =	sdelay $0x3  }
0x9a: {  	_ =	strace s4  }
0x9b: {  	s4 =	sld [smem:$0x3FFD];
	_ =	sdelay $0x3  }
0x9c: {  	_ =	strace s4  }
0x9d: {  	_ =	strace $0x8FFFFFFF  }
0x9e: {  	s18 =	sld [smem:$0x3FDB];
	_ =	sdelay $0x1  }
0x9f: {  	s19 =	simm.s32 $_scs_section_size  }
0xa0: {  	s6 =	simm.s32 $_size__tile_overlayer_lowered;
	s7 =	simm.s32 $_tile_overlayer_lowered  }
0xa1: {  	s22 =	simm.s32 $0x1BFF;
	s21 =	sshll.u32 s7, $0x1;
	s4 =	sadd.s32 s19, s18  }
0xa2: {  	s8 =	simm.s32 $0x0;
	s20 =	sshll.u32 s6, $0x1;
	s6 =	sadd.s32 s21, s4  }
0xa3: {  	[timem:s8], [sflag:s22] =	dma.local [hbm:s6], s20  }
0xa4: {  	_ =	swait.ge [sflag:s22], s20  }
0xa5: {  	s5 =	ssub.s32 $0x0, s20;
	[sflag:s22] =	ssyncset.done $0x0  }
0xa6: {  	[sflag:s22] =	ssyncadd.s32 s5;
	_ =	sdelay $0x1  }
0xa7: {  	s23 =	simm.s32 $0x1B8B  }
0xa8: {  	_ =	swait.ge [sflag:s23], $0x1  }
0xa9: {  	[sflag:s23] =	ssyncset.done $0x0  }
0xaa: {  	s25 =	simm.s32 $0x1B8E;
	s24 =	sld [smem:$0x3FFE];
	[sflag:s23] =	ssyncadd.s32 $0xFFFFFFFF  }
0xab: {  	s26 =	simm.s32 $execute0_lowered;
	[smem:$0x3FD2] =	sst s25  }
0xac: {  	s6 =	sshll.u32 s26, $0x1;
	_ =	strace $0x80000046;
	[dreg:$0x1] =	wrdreg $0xFFFFFFFF  }
0xad: {  	s28 =	simm.s32 $_size_execute0_lowered;
	s4 =	sadd.s32 s4, s6;
	[dreg:$0x0] =	wrdreg $0x0  }
0xae: {  	s6 =	sshll.u32 s28, $0x1;
	[dreg:$0x2] =	wrdreg s4  }
0xaf: {  	[dreg:$0x3] =	wrdreg s6  }
0xb0: {  	[dreg:$0x4] =	wrdreg $0xC0  }
0xb1: {  	_ =	task [dreg:s8], $0x5FFFF  }
0xb2: {  	[dreg:$0x1] =	wrdreg $0xFFFFFFFF  }
0xb3: {  	[dreg:$0x0] =	wrdreg $0x60  }
0xb4: {  	[dreg:$0x2] =	wrdreg s15  }
0xb5: {  	[dreg:$0x3] =	wrdreg s16  }
0xb6: {  	[dreg:$0x4] =	wrdreg s24  }
0xb7: {  	[dreg:$0x5] =	wrdreg $0x9  }
0xb8: {  	_ =	task.clear_ibuf [dreg:s8], $0x6FFFF;
	_ =	strace $0x90000046  }
0xb9: {  	s29 =	simm.s32 $0x9;
	_ =	strace $0x80000048  }
0xba: {  	_ =	swait.ge [sflag:s29], $0x1  }
0xbb: {  	[sflag:s29] =	ssyncadd.s32 $0xFFFFFFFF  }
0xbc: {  	_ =	strace $0x90000048  }
0xbd: {  	_ =	sfence  }
0xbe: {  	s30 =	sld [smem:$0x0];
	_ =	sdelay $0x2  }
0xbf: {  	s31 =	sshll.u32 s1, $0xD;
	s1 =	sshrl.u32 s1, $0x2  }
0xc0: {  	s3 =	sand.u32 $0x4000, s31;
	s1 =	sadd.s32 s1, s30  }
0xc1: {  	s0 =	sor.u32 s3, s0;
	s1 =	sshll.u32 s1, $0x11  }
0xc2: {  	s0 =	sor.u32 s1, s0  }
0xc3: {  	s0 =	sadd.s32 $0x8F2B, s0  }
0xc4: {  	[sflag:s0] =	ssyncadd.remote.s32 $0x1  }
0xc5: {  	_ =	sfence.sel $0xFFFF  }
0xc6: {  	[dreg:$0x0] =	wrdreg $0xFFFFFFFF;
	(pc) =	sbr.abs _section_cstart, $3  }
0xc7: {  	[dreg:$0x1] =	wrdreg $0xFFFFFFFF  }
0xc8: {  	_ =	task.clear_ibuf [dreg:s8], $0x2FFFF;
	_ =	strace $0x9FFFFFFF  }
0xc9: {  	(tm) =	ssettm $0x7FFFFFFF  }
tec
execute0_lowered:
.L_overlay_start_1:
0x0: {  	(tag) =	ssettag $0x1  }
0x1: {  	s2 =	rddreg [dreg:$0x0];
	s1 =	srdreg.scid  }
0x2: {  	s4 =	rddreg [dreg:$0x1];
	s0 =	stileid.u32;
	s11 =	sand.u32 $0x1, s1  }
0x3: {  	s10 =	rddreg [dreg:$0x2];
	s5 =	sshll.u32 s0, $0x4;
	s6 =	sshll.u32 s11, $0x3  }
0x4: {  	s3 =	simm.s32 $0x0;
	s1 =	rddreg [dreg:$0x3];
	s12 =	sor.u32 s6, s5  }
0x5: {  	[smem:$0x7FF] =	sst s3;
	s5 =	sshrl.u32 s12, $0x3  }
0x6: {  	_ =	strace $0x80000047;
	s5 =	sadd.s32 s4, s5;
	s4 =	simm.s32 $0x2  }
0x7: {  	[tilespmem:s3], [sflag:$0x2] =	stream.linear.gather [hbm4b:s5+s3], $0x10, $0x38;
	[tilespmem:$0x10500] =	vst v63  }
0x8: {  	_ =	swait.ge [sflag:s4], $0x10  }
0x9: {  	[sflag:s4] =	ssyncset.done $0x0  }
0xa: {  	[sflag:s4] =	ssyncadd.s32 $0xFFFFFFF0  }
0xb: {  	v6 =	vld [tilespmem:$0x0];
	_ =	sdelay $0x4  }
0xc: {  	v7 =	vlaneseq.u32;
	v1 =	vshra.s32 v6, $0x4;
	v2 =	vshrl.u32 v6, $0x7  }
0xd: {  	v0 =	vshrl.u32 v7, $0x3;
	v3 =	vand.u32 $0xFFFFFF80, v1;
	v2 =	vand.u32 $0xF, v2  }
0xe: {  	v4 =	vand.u32 $0x7, v7;
	v1 =	vor.u32 $0x6, v0;
	v8 =	vor.u32 v2, v3  }
0xf: {  	v2 =	vmul.u32 $0x10, v4;
	v9 =	vperm.xlane v8, v1  }
0x10: {  	v5 =	vimm.s32 $0x0;
	v3 =	vor.u32 $0x2, v0;
	v10 =	vperm.xlane v8, v0  }
0x11: {  	v4 =	vor.u32 $0x4, v0;
	v11 =	vperm.xlane v8, v3;
	v9 =	vadd.s32 v2, v9  }
0x12: {  	v41 =	vand.u32 $0x7F, v6;
	v8 =	vperm.xlane v8, v4;
	v10 =	vadd.s32 v2, v10;
	[tilespmem:$0xB0] =	vst v9  }
0x13: {  	v6 =	vmul.u32 $0x80, v7;
	v12 =	vperm.xlane v41, v5;
	v7 =	vadd.s32 v2, v11;
	[tilespmem:$0x80] =	vst v10  }
0x14: {  	s7 =	simm.s32 $0x80;
	v8 =	vadd.s32 v2, v8;
	[tilespmem:$0x90] =	vst v7  }
0x15: {  	s8 =	simm.s32 $0x100;
	s9 =	simm.s32 $0x1;
	s6 =	simm.s32 $0x40;
	v9 =	vadd.s32 v6, v12;
	[tilespmem:$0xA0] =	vst v8  }
0x16: {  	[tilespmem:s8], [sflag:$0x1] =	stream.indirect.gather [hbm4b:s2+s6], $0x400, s7, s6, $0xb8;
	[tilespmem:$0x10500] =	vst v63  }
0x17: {  	_ =	swait.ge [sflag:s9], $0x10000  }
0x18: {  	[sflag:s9] =	ssyncset.done $0x0  }
0x19: {  	[sflag:s9] =	ssyncadd.s32 $0xFFFF0000  }
0x1a: {  	v7 =	vor.u32 $0x800, v6;
	v8 =	vld.idx.msk [tilespmem:v9+s8+$0x0], $0xffff  }
0x1b: {  	v9 =	vadd.s32 v7, v12;
	_ =	sdelay $0x3  }
0x1c: {  	[tilespmem:$0x10100] =	vst v8  }
0x1d: {  	v8 =	vor.u32 $0x1000, v6;
	v9 =	vld.idx.msk [tilespmem:v9+s8+$0x0], $0xffff  }
0x1e: {  	v10 =	vadd.s32 v8, v12;
	_ =	sdelay $0x3  }
0x1f: {  	[tilespmem:$0x10110] =	vst v9  }
0x20: {  	v9 =	vor.u32 $0x1800, v6;
	v11 =	vld.idx.msk [tilespmem:v10+s8+$0x0], $0xffff  }
0x21: {  	v12 =	vadd.s32 v9, v12;
	_ =	sdelay $0x2  }
0x22: {  	v10 =	vimm.s32 $0x1  }
0x23: {  	v15 =	vperm.xlane v41, v10;
	[tilespmem:$0x10120] =	vst v11  }
0x24: {  	v11 =	vor.u32 $0x2000, v6;
	v12 =	vld.idx.msk [tilespmem:v12+s8+$0x0], $0xffff  }
0x25: {  	v13 =	vadd.s32 v11, v15;
	_ =	sdelay $0x3  }
0x26: {  	[tilespmem:$0x10130] =	vst v12  }
0x27: {  	v12 =	vor.u32 $0x2800, v6;
	v13 =	vld.idx.msk [tilespmem:v13+s8+$0x0], $0xffff  }
0x28: {  	v14 =	vadd.s32 v12, v15;
	_ =	sdelay $0x3  }
0x29: {  	[tilespmem:$0x10180] =	vst v13  }
0x2a: {  	v13 =	vor.u32 $0x3000, v6;
	v14 =	vld.idx.msk [tilespmem:v14+s8+$0x0], $0xffff  }
0x2b: {  	v16 =	vadd.s32 v13, v15;
	_ =	sdelay $0x3  }
0x2c: {  	[tilespmem:$0x10190] =	vst v14  }
0x2d: {  	v14 =	vor.u32 $0x3800, v6;
	v16 =	vld.idx.msk [tilespmem:v16+s8+$0x0], $0xffff  }
0x2e: {  	v17 =	vadd.s32 v14, v15;
	_ =	sdelay $0x2  }
0x2f: {  	v15 =	vimm.s32 $0x2  }
0x30: {  	v20 =	vperm.xlane v41, v15;
	[tilespmem:$0x101A0] =	vst v16  }
0x31: {  	v16 =	vor.u32 $0x4000, v6;
	v17 =	vld.idx.msk [tilespmem:v17+s8+$0x0], $0xffff  }
0x32: {  	v18 =	vadd.s32 v16, v20;
	_ =	sdelay $0x3  }
0x33: {  	[tilespmem:$0x101B0] =	vst v17  }
0x34: {  	v17 =	vor.u32 $0x4800, v6;
	v18 =	vld.idx.msk [tilespmem:v18+s8+$0x0], $0xffff  }
0x35: {  	v19 =	vadd.s32 v17, v20;
	_ =	sdelay $0x3  }
0x36: {  	[tilespmem:$0x10200] =	vst v18  }
0x37: {  	v18 =	vor.u32 $0x5000, v6;
	v19 =	vld.idx.msk [tilespmem:v19+s8+$0x0], $0xffff  }
0x38: {  	v21 =	vadd.s32 v18, v20;
	_ =	sdelay $0x3  }
0x39: {  	[tilespmem:$0x10210] =	vst v19  }
0x3a: {  	v19 =	vor.u32 $0x5800, v6;
	v21 =	vld.idx.msk [tilespmem:v21+s8+$0x0], $0xffff  }
0x3b: {  	v22 =	vadd.s32 v19, v20;
	_ =	sdelay $0x2  }
0x3c: {  	v20 =	vimm.s32 $0x3  }
0x3d: {  	v25 =	vperm.xlane v41, v20;
	[tilespmem:$0x10220] =	vst v21  }
0x3e: {  	v21 =	vor.u32 $0x6000, v6;
	v22 =	vld.idx.msk [tilespmem:v22+s8+$0x0], $0xffff  }
0x3f: {  	v23 =	vadd.s32 v21, v25;
	_ =	sdelay $0x3  }
0x40: {  	[tilespmem:$0x10230] =	vst v22  }
0x41: {  	v22 =	vor.u32 $0x6800, v6;
	v23 =	vld.idx.msk [tilespmem:v23+s8+$0x0], $0xffff  }
0x42: {  	v24 =	vadd.s32 v22, v25;
	_ =	sdelay $0x3  }
0x43: {  	[tilespmem:$0x10280] =	vst v23  }
0x44: {  	v23 =	vor.u32 $0x7000, v6;
	v24 =	vld.idx.msk [tilespmem:v24+s8+$0x0], $0xffff  }
0x45: {  	v26 =	vadd.s32 v23, v25;
	_ =	sdelay $0x3  }
0x46: {  	[tilespmem:$0x10290] =	vst v24  }
0x47: {  	v24 =	vor.u32 $0x7800, v6;
	v26 =	vld.idx.msk [tilespmem:v26+s8+$0x0], $0xffff  }
0x48: {  	v27 =	vadd.s32 v24, v25;
	_ =	sdelay $0x2  }
0x49: {  	v25 =	vimm.s32 $0x4  }
0x4a: {  	v30 =	vperm.xlane v41, v25;
	[tilespmem:$0x102A0] =	vst v26  }
0x4b: {  	v26 =	vor.u32 $0x8000, v6;
	v27 =	vld.idx.msk [tilespmem:v27+s8+$0x0], $0xffff  }
0x4c: {  	v28 =	vadd.s32 v26, v30;
	_ =	sdelay $0x3  }
0x4d: {  	[tilespmem:$0x102B0] =	vst v27  }
0x4e: {  	v27 =	vor.u32 $0x8800, v6;
	v28 =	vld.idx.msk [tilespmem:v28+s8+$0x0], $0xffff  }
0x4f: {  	v29 =	vadd.s32 v27, v30;
	_ =	sdelay $0x3  }
0x50: {  	[tilespmem:$0x10300] =	vst v28  }
0x51: {  	v28 =	vor.u32 $0x9000, v6;
	v29 =	vld.idx.msk [tilespmem:v29+s8+$0x0], $0xffff  }
0x52: {  	v31 =	vadd.s32 v28, v30;
	_ =	sdelay $0x3  }
0x53: {  	[tilespmem:$0x10310] =	vst v29  }
0x54: {  	v29 =	vor.u32 $0x9800, v6;
	v31 =	vld.idx.msk [tilespmem:v31+s8+$0x0], $0xffff  }
0x55: {  	v32 =	vadd.s32 v29, v30;
	_ =	sdelay $0x2  }
0x56: {  	v30 =	vimm.s32 $0x5  }
0x57: {  	v35 =	vperm.xlane v41, v30;
	[tilespmem:$0x10320] =	vst v31  }
0x58: {  	v31 =	vor.u32 $0xA000, v6;
	v32 =	vld.idx.msk [tilespmem:v32+s8+$0x0], $0xffff  }
0x59: {  	v33 =	vadd.s32 v31, v35;
	_ =	sdelay $0x3  }
0x5a: {  	[tilespmem:$0x10330] =	vst v32  }
0x5b: {  	v32 =	vor.u32 $0xA800, v6;
	v33 =	vld.idx.msk [tilespmem:v33+s8+$0x0], $0xffff  }
0x5c: {  	v34 =	vadd.s32 v32, v35;
	_ =	sdelay $0x3  }
0x5d: {  	[tilespmem:$0x10380] =	vst v33  }
0x5e: {  	v33 =	vor.u32 $0xB000, v6;
	v34 =	vld.idx.msk [tilespmem:v34+s8+$0x0], $0xffff  }
0x5f: {  	v36 =	vadd.s32 v33, v35;
	_ =	sdelay $0x3  }
0x60: {  	[tilespmem:$0x10390] =	vst v34  }
0x61: {  	v34 =	vor.u32 $0xB800, v6;
	v36 =	vld.idx.msk [tilespmem:v36+s8+$0x0], $0xffff  }
0x62: {  	v37 =	vadd.s32 v34, v35;
	_ =	sdelay $0x2  }
0x63: {  	v35 =	vimm.s32 $0x6  }
0x64: {  	v40 =	vperm.xlane v41, v35;
	[tilespmem:$0x103A0] =	vst v36  }
0x65: {  	v36 =	vor.u32 $0xC000, v6;
	v37 =	vld.idx.msk [tilespmem:v37+s8+$0x0], $0xffff  }
0x66: {  	v38 =	vadd.s32 v36, v40;
	_ =	sdelay $0x3  }
0x67: {  	[tilespmem:$0x103B0] =	vst v37  }
0x68: {  	v37 =	vor.u32 $0xC800, v6;
	v38 =	vld.idx.msk [tilespmem:v38+s8+$0x0], $0xffff  }
0x69: {  	v39 =	vadd.s32 v37, v40;
	_ =	sdelay $0x3  }
0x6a: {  	[tilespmem:$0x10400] =	vst v38  }
0x6b: {  	v38 =	vor.u32 $0xD000, v6;
	v39 =	vld.idx.msk [tilespmem:v39+s8+$0x0], $0xffff  }
0x6c: {  	v42 =	vadd.s32 v38, v40;
	_ =	sdelay $0x3  }
0x6d: {  	[tilespmem:$0x10410] =	vst v39  }
0x6e: {  	v39 =	vor.u32 $0xD800, v6;
	v42 =	vld.idx.msk [tilespmem:v42+s8+$0x0], $0xffff  }
0x6f: {  	v43 =	vadd.s32 v39, v40;
	_ =	sdelay $0x2  }
0x70: {  	v40 =	vimm.s32 $0x7  }
0x71: {  	v45 =	vperm.xlane v41, v40;
	[tilespmem:$0x10420] =	vst v42  }
0x72: {  	v41 =	vor.u32 $0xE000, v6;
	v42 =	vld.idx.msk [tilespmem:v43+s8+$0x0], $0xffff  }
0x73: {  	v63 =	vadd.s32 v41, v45;
	_ =	sdelay $0x3  }
0x74: {  	[tilespmem:$0x10430] =	vst v42  }
0x75: {  	v42 =	vor.u32 $0xE800, v6;
	v43 =	vld.idx.msk [tilespmem:v63+s8+$0x0], $0xffff  }
0x76: {  	v44 =	vadd.s32 v42, v45;
	_ =	sdelay $0x3  }
0x77: {  	[tilespmem:$0x10480] =	vst v43  }
0x78: {  	v43 =	vor.u32 $0xF000, v6;
	v44 =	vld.idx.msk [tilespmem:v44+s8+$0x0], $0xffff  }
0x79: {  	v46 =	vadd.s32 v43, v45;
	_ =	sdelay $0x3  }
0x7a: {  	[tilespmem:$0x10490] =	vst v44  }
0x7b: {  	v44 =	vor.u32 $0xF800, v6;
	v46 =	vld.idx.msk [tilespmem:v46+s8+$0x0], $0xffff  }
0x7c: {  	v45 =	vadd.s32 v44, v45  }
0x7d: {  	s11 =	ssub.s32 $0x2, s11  }
0x7e: {  	s13 =	sshrl.u32 s11, $0x1  }
0x7f: {  	s11 =	ssub.s32 s11, s13  }
0x80: {  	s13 =	smax.u32 s11, $0x1;
	[tilespmem:$0x104A0] =	vst v46  }
0x81: {  	p0 =	sne.s32 s13, $0x1;
	v45 =	vld.idx.msk [tilespmem:v45+s8+$0x0], $0xffff  }
.Ltmp0:
0x82: {  	_ = 	snop;
	(pc) =	sbr.rel @!p0 .LBB2_2-.Ltmp0, $4  }
0x83: {  	_ = 	snop  }
0x84: {  	s12 =	sshll.u32 s12, $0x4  }
0x85: {  	s10 =	sadd.s32 s12, s10  }
0x86: {  	s11 =	simm.s32 $0x10100;
	s10 =	sadd.s32 $0x400, s10;
	s12 =	sadd.s32 $0xFFFFFFFF, s13;
	[tilespmem:$0x104B0] =	vst v45  }
.LBB2_1:
0x87: {  	[hbm4b:s10+s3] =	stream.linear.scatter [tilespmem:s11], [sflag:$0x2], $0x400, $0x38;
	[tilespmem:$0x10500] =	vst v63  }
0x88: {  	p0 =	sne.s32 s12, $0x1;
	s12 =	sadd.s32 $0xFFFFFFFF, s12;
	_ =	swait.ge [sflag:s4], $0x400  }
0x89: {  	[sflag:s4] =	ssyncset.done $0x0  }
0x8a: {  	[sflag:s4] =	ssyncadd.s32 $0xFFFFFC00  }
0x8b: {  	[tilespmem:s3], [sflag:$0x2] =	stream.linear.gather [hbm4b:s5+s3], $0x10, $0x38;
	[tilespmem:$0x10500] =	vst v63  }
0x8c: {  	_ =	swait.ge [sflag:s4], $0x10  }
0x8d: {  	[sflag:s4] =	ssyncset.done $0x0  }
0x8e: {  	[sflag:s4] =	ssyncadd.s32 $0xFFFFFFF0  }
0x8f: {  	v45 =	vld [tilespmem:$0x0];
	_ =	sdelay $0x4  }
0x90: {  	v46 =	vshra.s32 v45, $0x4;
	v47 =	vshrl.u32 v45, $0x7;
	v45 =	vand.u32 $0x7F, v45  }
0x91: {  	v46 =	vand.u32 $0xFFFFFF80, v46;
	v47 =	vand.u32 $0xF, v47;
	v51 =	vperm.xlane v45, v5  }
0x92: {  	v52 =	vperm.xlane v45, v10;
	v50 =	vperm.xlane v45, v15;
	v46 =	vor.u32 v47, v46  }
0x93: {  	v47 =	vperm.xlane v46, v0;
	v48 =	vperm.xlane v46, v1  }
0x94: {  	v53 =	vperm.xlane v46, v3;
	v46 =	vperm.xlane v46, v4  }
0x95: {  	v49 =	vperm.xlane v45, v20;
	v47 =	vadd.s32 v2, v47;
	v48 =	vadd.s32 v2, v48  }
0x96: {  	v53 =	vadd.s32 v2, v53;
	v54 =	vadd.s32 v2, v46;
	[tilespmem:$0xB0] =	vst v48;
	v48 =	vperm.xlane v45, v25  }
0x97: {  	v46 =	vperm.xlane v45, v35;
	[tilespmem:$0x80] =	vst v47;
	v47 =	vperm.xlane v45, v30  }
0x98: {  	v45 =	vperm.xlane v45, v40;
	[tilespmem:$0x90] =	vst v53;
	v53 =	vadd.s32 v6, v51  }
0x99: {  	[tilespmem:$0xA0] =	vst v54  }
0x9a: {  	[tilespmem:s8], [sflag:$0x1] =	stream.indirect.gather [hbm4b:s2+s6], $0x400, s7, s6, $0xb8;
	[tilespmem:$0x10500] =	vst v63  }
0x9b: {  	_ =	swait.ge [sflag:s9], $0x10000  }
0x9c: {  	[sflag:s9] =	ssyncset.done $0x0  }
0x9d: {  	[sflag:s9] =	ssyncadd.s32 $0xFFFF0000  }
0x9e: {  	v53 =	vld.idx.msk [tilespmem:v53+s8+$0x0], $0xffff  }
0x9f: {  	v54 =	vadd.s32 v7, v51;
	_ =	sdelay $0x4  }
0xa0: {  	[tilespmem:$0x10100] =	vst v53  }
0xa1: {  	v53 =	vld.idx.msk [tilespmem:v54+s8+$0x0], $0xffff  }
0xa2: {  	v54 =	vadd.s32 v8, v51;
	_ =	sdelay $0x4  }
0xa3: {  	[tilespmem:$0x10110] =	vst v53  }
0xa4: {  	v53 =	vld.idx.msk [tilespmem:v54+s8+$0x0], $0xffff  }
0xa5: {  	v51 =	vadd.s32 v9, v51;
	_ =	sdelay $0x4  }
0xa6: {  	[tilespmem:$0x10120] =	vst v53  }
0xa7: {  	v51 =	vld.idx.msk [tilespmem:v51+s8+$0x0], $0xffff  }
0xa8: {  	v53 =	vadd.s32 v11, v52;
	_ =	sdelay $0x4  }
0xa9: {  	[tilespmem:$0x10130] =	vst v51  }
0xaa: {  	v51 =	vld.idx.msk [tilespmem:v53+s8+$0x0], $0xffff  }
0xab: {  	v53 =	vadd.s32 v12, v52;
	_ =	sdelay $0x4  }
0xac: {  	[tilespmem:$0x10180] =	vst v51  }
0xad: {  	v51 =	vld.idx.msk [tilespmem:v53+s8+$0x0], $0xffff  }
0xae: {  	v53 =	vadd.s32 v13, v52;
	_ =	sdelay $0x4  }
0xaf: {  	[tilespmem:$0x10190] =	vst v51  }
0xb0: {  	v51 =	vld.idx.msk [tilespmem:v53+s8+$0x0], $0xffff  }
0xb1: {  	v52 =	vadd.s32 v14, v52;
	_ =	sdelay $0x4  }
0xb2: {  	[tilespmem:$0x101A0] =	vst v51  }
0xb3: {  	v51 =	vld.idx.msk [tilespmem:v52+s8+$0x0], $0xffff  }
0xb4: {  	v52 =	vadd.s32 v16, v50;
	_ =	sdelay $0x4  }
0xb5: {  	[tilespmem:$0x101B0] =	vst v51  }
0xb6: {  	v51 =	vld.idx.msk [tilespmem:v52+s8+$0x0], $0xffff  }
0xb7: {  	v52 =	vadd.s32 v17, v50;
	_ =	sdelay $0x4  }
0xb8: {  	[tilespmem:$0x10200] =	vst v51  }
0xb9: {  	v51 =	vld.idx.msk [tilespmem:v52+s8+$0x0], $0xffff  }
0xba: {  	v52 =	vadd.s32 v18, v50;
	_ =	sdelay $0x4  }
0xbb: {  	[tilespmem:$0x10210] =	vst v51  }
0xbc: {  	v51 =	vld.idx.msk [tilespmem:v52+s8+$0x0], $0xffff  }
0xbd: {  	v50 =	vadd.s32 v19, v50;
	_ =	sdelay $0x4  }
0xbe: {  	[tilespmem:$0x10220] =	vst v51  }
0xbf: {  	v50 =	vld.idx.msk [tilespmem:v50+s8+$0x0], $0xffff  }
0xc0: {  	v51 =	vadd.s32 v21, v49;
	_ =	sdelay $0x4  }
0xc1: {  	[tilespmem:$0x10230] =	vst v50  }
0xc2: {  	v50 =	vld.idx.msk [tilespmem:v51+s8+$0x0], $0xffff  }
0xc3: {  	v51 =	vadd.s32 v22, v49;
	_ =	sdelay $0x4  }
0xc4: {  	[tilespmem:$0x10280] =	vst v50  }
0xc5: {  	v50 =	vld.idx.msk [tilespmem:v51+s8+$0x0], $0xffff  }
0xc6: {  	v51 =	vadd.s32 v23, v49;
	_ =	sdelay $0x4  }
0xc7: {  	[tilespmem:$0x10290] =	vst v50  }
0xc8: {  	v50 =	vld.idx.msk [tilespmem:v51+s8+$0x0], $0xffff  }
0xc9: {  	v49 =	vadd.s32 v24, v49;
	_ =	sdelay $0x4  }
0xca: {  	[tilespmem:$0x102A0] =	vst v50  }
0xcb: {  	v49 =	vld.idx.msk [tilespmem:v49+s8+$0x0], $0xffff  }
0xcc: {  	v50 =	vadd.s32 v26, v48;
	_ =	sdelay $0x4  }
0xcd: {  	[tilespmem:$0x102B0] =	vst v49  }
0xce: {  	v49 =	vld.idx.msk [tilespmem:v50+s8+$0x0], $0xffff  }
0xcf: {  	v50 =	vadd.s32 v27, v48;
	_ =	sdelay $0x4  }
0xd0: {  	[tilespmem:$0x10300] =	vst v49  }
0xd1: {  	v49 =	vld.idx.msk [tilespmem:v50+s8+$0x0], $0xffff  }
0xd2: {  	v50 =	vadd.s32 v28, v48;
	_ =	sdelay $0x4  }
0xd3: {  	[tilespmem:$0x10310] =	vst v49  }
0xd4: {  	v49 =	vld.idx.msk [tilespmem:v50+s8+$0x0], $0xffff  }
0xd5: {  	v48 =	vadd.s32 v29, v48;
	_ =	sdelay $0x4  }
0xd6: {  	[tilespmem:$0x10320] =	vst v49  }
0xd7: {  	v48 =	vld.idx.msk [tilespmem:v48+s8+$0x0], $0xffff  }
0xd8: {  	v49 =	vadd.s32 v31, v47;
	_ =	sdelay $0x4  }
0xd9: {  	[tilespmem:$0x10330] =	vst v48  }
0xda: {  	v48 =	vld.idx.msk [tilespmem:v49+s8+$0x0], $0xffff  }
0xdb: {  	v49 =	vadd.s32 v32, v47;
	_ =	sdelay $0x4  }
0xdc: {  	[tilespmem:$0x10380] =	vst v48  }
0xdd: {  	v48 =	vld.idx.msk [tilespmem:v49+s8+$0x0], $0xffff  }
0xde: {  	v49 =	vadd.s32 v33, v47;
	_ =	sdelay $0x4  }
0xdf: {  	[tilespmem:$0x10390] =	vst v48  }
0xe0: {  	v48 =	vld.idx.msk [tilespmem:v49+s8+$0x0], $0xffff  }
0xe1: {  	v47 =	vadd.s32 v34, v47;
	_ =	sdelay $0x4  }
0xe2: {  	[tilespmem:$0x103A0] =	vst v48  }
0xe3: {  	v47 =	vld.idx.msk [tilespmem:v47+s8+$0x0], $0xffff  }
0xe4: {  	v48 =	vadd.s32 v36, v46;
	_ =	sdelay $0x4  }
0xe5: {  	[tilespmem:$0x103B0] =	vst v47  }
0xe6: {  	v47 =	vld.idx.msk [tilespmem:v48+s8+$0x0], $0xffff  }
0xe7: {  	v48 =	vadd.s32 v37, v46;
	_ =	sdelay $0x4  }
0xe8: {  	[tilespmem:$0x10400] =	vst v47  }
0xe9: {  	v47 =	vld.idx.msk [tilespmem:v48+s8+$0x0], $0xffff  }
0xea: {  	v48 =	vadd.s32 v38, v46;
	_ =	sdelay $0x4  }
0xeb: {  	[tilespmem:$0x10410] =	vst v47  }
0xec: {  	v47 =	vld.idx.msk [tilespmem:v48+s8+$0x0], $0xffff  }
0xed: {  	v46 =	vadd.s32 v39, v46;
	_ =	sdelay $0x4  }
0xee: {  	[tilespmem:$0x10420] =	vst v47  }
0xef: {  	v46 =	vld.idx.msk [tilespmem:v46+s8+$0x0], $0xffff  }
0xf0: {  	v47 =	vadd.s32 v41, v45;
	_ =	sdelay $0x4  }
0xf1: {  	[tilespmem:$0x10430] =	vst v46  }
0xf2: {  	v46 =	vld.idx.msk [tilespmem:v47+s8+$0x0], $0xffff  }
0xf3: {  	v47 =	vadd.s32 v42, v45;
	_ =	sdelay $0x4  }
0xf4: {  	[tilespmem:$0x10480] =	vst v46  }
0xf5: {  	v46 =	vld.idx.msk [tilespmem:v47+s8+$0x0], $0xffff  }
0xf6: {  	v47 =	vadd.s32 v43, v45;
	_ =	sdelay $0x4  }
0xf7: {  	[tilespmem:$0x10490] =	vst v46  }
0xf8: {  	v46 =	vld.idx.msk [tilespmem:v47+s8+$0x0], $0xffff  }
0xf9: {  	v45 =	vadd.s32 v44, v45;
	_ =	sdelay $0x4  }
0xfa: {  	[tilespmem:$0x104A0] =	vst v46  }
0xfb: {  	v45 =	vld.idx.msk [tilespmem:v45+s8+$0x0], $0xffff;
	_ =	sdelay $0x1  }
.Ltmp1:
0xfc: {  	(pc) =	sbr.rel @p0 .LBB2_1-.Ltmp1, $2  }
0xfd: {  	_ =	sdelay $0x2  }
0xfe: {  	[tilespmem:$0x104B0] =	vst v45  }
.LBB2_2:
0xff: {  	[hbm4b:s10+s3] =	stream.linear.scatter [tilespmem:s11], [sflag:$0x2], $0x400, $0x38;
	[tilespmem:$0x10500] =	vst v63  }
0x100: {  	_ =	swait.ge [sflag:s4], $0x400  }
0x101: {  	[sflag:s4] =	ssyncset.done $0x0  }
0x102: {  	[sflag:s4] =	ssyncadd.s32 $0xFFFFFC00  }
0x103: {  	_ =	sfence.sel $0x180000  }
0x104: {  	[bflag:$0x0] =	sbarrier.arrive $0xFFFF  }
0x105: {  	p0 =	sne.s32 s0, $0x0;
	_ =	strace $0x90000047  }
0x106: {  	s0 =	sadd.s32 @!p0 $0x100000, s1;
	[bflag:$0x2] =	sbarrier.arrive $0xFFFF  }
0x107: {  	[sflag:s0] =	ssyncadd.tile.s32 @!p0 $0x1;
	_ =	shalt  }
.Lfunc_end2:
_tile_overlayer_lowered:
.L_overlay_start_2:
0x108: {  	(tag) =	ssettag $0x2  }
0x109: {  	s0 =	rddreg [dreg:$0x0];
	s2 =	stileid.u32  }
0x10a: {  	s1 =	rddreg [dreg:$0x1];
	p0 =	sne.s32 s2, $0x0  }
0x10b: {  	s3 =	rddreg [dreg:$0x2];
	[bflag:$0x3] =	sbarrier.arrive $0xFFFF;
	s2 =	simm.s32 @!p0 $0x1C02  }
0x10c: {  	[timem:s3], [sflag:s2] =	dma.local @!p0 [hbm:s0], s1  }
0x10d: {  	s0 =	simm.s32 @!p0 $0x2  }
0x10e: {  	_ =	swait.ge @!p0 [sflag:s0], s1  }
0x10f: {  	s1 =	ssub.s32 @!p0 $0x0, s1;
	[sflag:s0] =	ssyncset.done @!p0 $0x0  }
0x110: {  	[sflag:s0] =	ssyncadd.s32 @!p0 s1  }
0x111: {  	[bflag:$0x3] =	sbarrier.arrive $0xFFFF  }
0x112: {  	_ =	shalt  }

</sc_bundles>
